<compile_context>
chip_gen: v7x
topology: tpu7x:2x2x1
jax: 0.10.2.dev20260603
libtpu: 0.0.44.dev20260713+nightly
codegen_flags: <defaults>
</compile_context>

<pallas_src>
import functools
import jax
import jax.numpy as jnp
from jax import lax
from jax.experimental import pallas as pl
from jax.experimental.pallas import tpu as pltpu
from jax.experimental.pallas import tpu_sc as plsc

_PAD = 1
_NC = 2
_NS = 16
_NW = _NC * _NS
_CHUNK = 32
_LANES = 16


def _sc_body(seq_len, rows_per_w, tok_hbm, w_hbm, out_hbm, tok_v, idx_v,
             rows0, rows1, gsem0, gsem1, ssem0, ssem1):
    wid = lax.axis_index("s") * _NC + lax.axis_index("c")
    base = wid * rows_per_w
    s0 = base % seq_len
    rows = (rows0, rows1)
    gsems = (gsem0, gsem1)
    ssems = (ssem0, ssem1)
    nch = rows_per_w // _CHUNK

    pltpu.sync_copy(tok_hbm.at[pl.ds(base, rows_per_w)], tok_v)
    for i in range(rows_per_w // _LANES):
        tok = tok_v[pl.ds(i * _LANES, _LANES)]
        pos = lax.iota(jnp.int32, _LANES) + (s0 + i * _LANES + 2)
        idx_v[pl.ds(i * _LANES, _LANES)] = jnp.where(tok != _PAD, pos, _PAD)

    def gather_cp(c):
        return pltpu.make_async_copy(
            w_hbm.at[idx_v.at[pl.ds(c * _CHUNK, _CHUNK)]], rows[c % 2],
            gsems[c % 2])

    def scatter_cp(c):
        return pltpu.make_async_copy(
            rows[c % 2], out_hbm.at[pl.ds(base + c * _CHUNK, _CHUNK)],
            ssems[c % 2])

    gather_cp(0).start()
    for c in range(nch):
        gather_cp(c).wait()
        scatter_cp(c).start()
        if c + 1 < nch:
            if c >= 1:
                scatter_cp(c - 1).wait()
            gather_cp(c + 1).start()
    scatter_cp(nch - 2).wait()
    scatter_cp(nch - 1).wait()


def kernel(input, weights):
    bsz, seq_len = input.shape
    dim = weights.shape[1]
    n_rows = bsz * seq_len
    rows_per_w = n_rows // _NW
    mesh = plsc.VectorSubcoreMesh(core_axis_name="c", subcore_axis_name="s")
    fn = functools.partial(
        pl.kernel,
        mesh=mesh,
        out_type=jax.ShapeDtypeStruct((n_rows, dim), jnp.float32),
        scratch_types=[
            pltpu.VMEM((rows_per_w,), jnp.int32),
            pltpu.VMEM((rows_per_w,), jnp.int32),
            pltpu.VMEM((_CHUNK, dim), jnp.float32),
            pltpu.VMEM((_CHUNK, dim), jnp.float32),
            pltpu.SemaphoreType.DMA,
            pltpu.SemaphoreType.DMA,
            pltpu.SemaphoreType.DMA,
            pltpu.SemaphoreType.DMA,
        ],
    )(functools.partial(_sc_body, seq_len, rows_per_w))
    out = fn(input.reshape(-1), weights)
    return out.reshape(bsz, seq_len, dim)

# --- scband reference (transcript-rebuilt; emitter-appended) ---
"""Pipeline reference for scband-sinusoidal-positional-embedding-5085241279153 (READ-ONLY COPY).

The authoritative reference and input builder live on the scoring server;
editing this copy changes nothing except your own understanding.
"""

import math
import jax, jax.numpy as jnp
import numpy as np

EMBEDDING_DIM = 1024
PADDING_IDX = 1
LEFT_PAD = False
INIT_SIZE = 8192


def get_embedding(num_embeddings, embedding_dim, padding_idx=None):
    half_dim = embedding_dim // 2
    emb = math.log(10000) / (half_dim - 1)
    emb = jnp.exp(jnp.arange(half_dim, dtype=jnp.float32) * -emb)
    emb = jnp.arange(num_embeddings, dtype=jnp.float32)[:, None] * emb[None, :]
    emb = jnp.concatenate([jnp.sin(emb), jnp.cos(emb)], axis=1).reshape(num_embeddings, -1)
    if embedding_dim % 2 == 1:
        emb = jnp.concatenate([emb, jnp.zeros((num_embeddings, 1), dtype=jnp.float32)], axis=1)
    if padding_idx is not None:
        emb = emb.at[padding_idx, :].set(0.0)
    return emb


def setup_inputs(seed: int = 0) -> dict:
    key = jax.random.key(seed)
    k1, _ = jax.random.split(key)
    input = jax.random.randint(k1, (4, 4096), 0, 50000, dtype=jnp.int64 if jax.config.jax_enable_x64 else jnp.int32).astype(jnp.int32)
    weights = get_embedding(INIT_SIZE, EMBEDDING_DIM, PADDING_IDX)
    return {"input": input, "weights": weights}


def reference(input, weights):
    bsz, seq_len = input.shape
    # make_positions (left_pad=False): replace non-padding symbols with their
    # position numbers starting at padding_idx+1; padding symbols keep padding_idx.
    mask = input != PADDING_IDX
    range_buf = jnp.arange(PADDING_IDX + 1, PADDING_IDX + 1 + seq_len, dtype=input.dtype)
    positions_grid = jnp.broadcast_to(range_buf[None, :], (bsz, seq_len))
    positions = jnp.where(mask, positions_grid, input)
    # gather (index_select) from sinusoidal table
    out = jnp.take(weights, positions.reshape(-1), axis=0).reshape(bsz, seq_len, -1)
    return out

if __name__ == "__main__":
    import jax
    _d = setup_inputs()
    print(jax.jit(kernel)(*tuple(_d.values())))

</pallas_src>

<mosaic_0001>
#map = affine_map<(d0, d1) -> (0)>
#map1 = affine_map<(d0, d1) -> (0, 0)>
module attributes {stable_mosaic.version = 14 : i64} {
  func.func @_sc_body(%arg0: i32, %arg1: i32, %arg2: memref<16384xi32, #tpu.memory_space<hbm>>, %arg3: memref<8192x1024xf32, #tpu.memory_space<hbm>>, %arg4: memref<16384x1024xf32, #tpu.memory_space<hbm>>, %arg5: memref<512xi32, #tpu.memory_space<vmem>>, %arg6: memref<512xi32, #tpu.memory_space<vmem>>, %arg7: memref<32x1024xf32, #tpu.memory_space<vmem>>, %arg8: memref<32x1024xf32, #tpu.memory_space<vmem>>, %arg9: memref<!tpu.dma_semaphore, #tpu.memory_space<semaphore_mem>>, %arg10: memref<!tpu.dma_semaphore, #tpu.memory_space<semaphore_mem>>, %arg11: memref<!tpu.dma_semaphore, #tpu.memory_space<semaphore_mem>>, %arg12: memref<!tpu.dma_semaphore, #tpu.memory_space<semaphore_mem>>) attributes {dimension_semantics = [#tpu.dimension_semantics<core_parallel>, #tpu.dimension_semantics<subcore_parallel>], iteration_bounds = array<i64: 2, 16>, scalar_prefetch = 0 : i64, scratch_operands = 8 : i64, tpu.core_type = #tpu.core_type<sc_vector_subcore>, window_params = [{transform_indices = #map}, {transform_indices = #map1}, {transform_indices = #map1}]} {
    %mul3A = arith.constant 2 : i32
    %mul3A_0 = arith.muli %arg1, %mul3A : i32
    %add3A = arith.addi %mul3A_0, %arg0 : i32
    %mul3A_1 = arith.constant 512 : i32
    %mul3A_2 = arith.muli %add3A, %mul3A_1 : i32
    %jit3A = arith.constant 4096 : i32
    %eq3A = arith.constant 0 : i32
    %eq3A_3 = arith.cmpi eq, %jit3A, %eq3A : i32
    %jit3A_4 = arith.constant 1 : i32
    %select_n3A = arith.select %eq3A_3, %jit3A_4, %jit3A : i32
    %rem3A = arith.remsi %mul3A_2, %select_n3A : i32
    %ne3A = arith.constant 0 : i32
    %ne3A_5 = arith.cmpi ne, %rem3A, %ne3A : i32
    %lt3A = arith.constant 0 : i32
    %lt3A_6 = arith.cmpi slt, %rem3A, %lt3A : i32
    %lt3A_7 = arith.constant 0 : i32
    %lt3A_8 = arith.cmpi slt, %select_n3A, %lt3A_7 : i32
    %ne3A_9 = arith.xori %lt3A_6, %lt3A_8 : i1
    %and3A = arith.andi %ne3A_9, %ne3A_5 : i1
    %add3A_10 = arith.addi %rem3A, %select_n3A : i32
    %select_n3A_11 = arith.select %and3A, %add3A_10, %rem3A : i32
    "tpu.region"() ({
      %run_scoped3A = tpu.sem_alloc : memref<!tpu.dma_semaphore, #tpu.memory_space<semaphore_mem>>
      %dma_start3A_998 = tpu.memref_slice %arg2[%mul3A_2] : memref<16384xi32, #tpu.memory_space<hbm>> -> memref<512xi32, #tpu.memory_space<hbm>>
      %dma_start3A_999 = tpu.memref_slice %arg2[%mul3A_2] : memref<16384xi32, #tpu.memory_space<hbm>> -> memref<512xi32, #tpu.memory_space<hbm>>
      tpu.enqueue_dma source(%dma_start3A_999 : memref<512xi32, #tpu.memory_space<hbm>>) target(%arg5 : memref<512xi32, #tpu.memory_space<vmem>>) target_semaphore(%run_scoped3A : memref<!tpu.dma_semaphore, #tpu.memory_space<semaphore_mem>>)
      %dma_wait3A_1000 = tpu.memref_slice %arg2[%mul3A_2] : memref<16384xi32, #tpu.memory_space<hbm>> -> memref<512xi32, #tpu.memory_space<hbm>>
      %dma_wait3A_1001 = tpu.memref_slice %arg2[%mul3A_2] : memref<16384xi32, #tpu.memory_space<hbm>> -> memref<512xi32, #tpu.memory_space<hbm>>
      tpu.wait_dma2 semaphore(%run_scoped3A : memref<!tpu.dma_semaphore, #tpu.memory_space<semaphore_mem>>) src(%dma_wait3A_1001 : memref<512xi32, #tpu.memory_space<hbm>>) dst(%arg5 : memref<512xi32, #tpu.memory_space<vmem>>)
      tpu.yield
    }) : () -> ()
    %get3A = arith.constant 0 : index
    %get3A_12 = tpu.vector_load %arg5[%get3A] {strides = array<i32>} : memref<512xi32, #tpu.memory_space<vmem>>, vector<16xi32>,
    %get3A_13 = vector.shape_cast %get3A_12 : vector<16xi32> to vector<16xi32>
    %iota3A = tpu.iota {dimensions = array<i32: 0>} : vector<16xi32>
    %add3A_14 = arith.constant 0 : i32
    %add3A_15 = arith.addi %select_n3A_11, %add3A_14 : i32
    %add3A_16 = arith.constant 2 : i32
    %add3A_17 = arith.addi %add3A_15, %add3A_16 : i32
    %add3A_18 = vector.broadcast %add3A_17 : i32 to vector<16xi32>
    %add3A_19 = arith.addi %iota3A, %add3A_18 : vector<16xi32>
    %ne3A_20 = arith.constant 1 : i32
    %ne3A_21 = vector.broadcast %ne3A_20 : i32 to vector<16xi32>
    %ne3A_22 = arith.cmpi ne, %get3A_13, %ne3A_21 : vector<16xi32>
    %jit3A_23 = arith.constant 1 : i32
    %broadcast_in_dim3A = vector.broadcast %jit3A_23 : i32 to vector<16xi32>
    %select_n3A_24 = arith.select %ne3A_22, %add3A_19, %broadcast_in_dim3A : vector<16xi1>, vector<16xi32>
    %swap3A = arith.constant 0 : index
    %swap3A_25 = tpu.vector_load %arg6[%swap3A] {strides = array<i32>} : memref<512xi32, #tpu.memory_space<vmem>>, vector<16xi32>,
    %swap3A_26 = vector.shape_cast %swap3A_25 : vector<16xi32> to vector<16xi32>
    %swap3A_27 = vector.shape_cast %select_n3A_24 : vector<16xi32> to vector<16xi32>
    tpu.vector_store %arg6[%swap3A], %swap3A_27 {strides = array<i32>} : memref<512xi32, #tpu.memory_space<vmem>>, vector<16xi32>,
    %get3A_28 = arith.constant 16 : index
    %get3A_29 = tpu.vector_load %arg5[%get3A_28] {strides = array<i32>} : memref<512xi32, #tpu.memory_space<vmem>>, vector<16xi32>,
    %get3A_30 = vector.shape_cast %get3A_29 : vector<16xi32> to vector<16xi32>
    %iota3A_31 = tpu.iota {dimensions = array<i32: 0>} : vector<16xi32>
    %add3A_32 = arith.constant 16 : i32
    %add3A_33 = arith.addi %select_n3A_11, %add3A_32 : i32
    %add3A_34 = arith.constant 2 : i32
    %add3A_35 = arith.addi %add3A_33, %add3A_34 : i32
    %add3A_36 = vector.broadcast %add3A_35 : i32 to vector<16xi32>
    %add3A_37 = arith.addi %iota3A_31, %add3A_36 : vector<16xi32>
    %ne3A_38 = arith.constant 1 : i32
    %ne3A_39 = vector.broadcast %ne3A_38 : i32 to vector<16xi32>
    %ne3A_40 = arith.cmpi ne, %get3A_30, %ne3A_39 : vector<16xi32>
    %jit3A_41 = arith.constant 1 : i32
    %broadcast_in_dim3A_42 = vector.broadcast %jit3A_41 : i32 to vector<16xi32>
    %select_n3A_43 = arith.select %ne3A_40, %add3A_37, %broadcast_in_dim3A_42 : vector<16xi1>, vector<16xi32>
    %swap3A_44 = arith.constant 16 : index
    %swap3A_45 = tpu.vector_load %arg6[%swap3A_44] {strides = array<i32>} : memref<512xi32, #tpu.memory_space<vmem>>, vector<16xi32>,
    %swap3A_46 = vector.shape_cast %swap3A_45 : vector<16xi32> to vector<16xi32>
    %swap3A_47 = vector.shape_cast %select_n3A_43 : vector<16xi32> to vector<16xi32>
    tpu.vector_store %arg6[%swap3A_44], %swap3A_47 {strides = array<i32>} : memref<512xi32, #tpu.memory_space<vmem>>, vector<16xi32>,
    %get3A_48 = arith.constant 32 : index
    %get3A_49 = tpu.vector_load %arg5[%get3A_48] {strides = array<i32>} : memref<512xi32, #tpu.memory_space<vmem>>, vector<16xi32>,
    %get3A_50 = vector.shape_cast %get3A_49 : vector<16xi32> to vector<16xi32>
    %iota3A_51 = tpu.iota {dimensions = array<i32: 0>} : vector<16xi32>
    %add3A_52 = arith.constant 32 : i32
    %add3A_53 = arith.addi %select_n3A_11, %add3A_52 : i32
    %add3A_54 = arith.constant 2 : i32
    %add3A_55 = arith.addi %add3A_53, %add3A_54 : i32
    %add3A_56 = vector.broadcast %add3A_55 : i32 to vector<16xi32>
    %add3A_57 = arith.addi %iota3A_51, %add3A_56 : vector<16xi32>
    %ne3A_58 = arith.constant 1 : i32
    %ne3A_59 = vector.broadcast %ne3A_58 : i32 to vector<16xi32>
    %ne3A_60 = arith.cmpi ne, %get3A_50, %ne3A_59 : vector<16xi32>
    %jit3A_61 = arith.constant 1 : i32
    %broadcast_in_dim3A_62 = vector.broadcast %jit3A_61 : i32 to vector<16xi32>
    %select_n3A_63 = arith.select %ne3A_60, %add3A_57, %broadcast_in_dim3A_62 : vector<16xi1>, vector<16xi32>
    %swap3A_64 = arith.constant 32 : index
    %swap3A_65 = tpu.vector_load %arg6[%swap3A_64] {strides = array<i32>} : memref<512xi32, #tpu.memory_space<vmem>>, vector<16xi32>,
    %swap3A_66 = vector.shape_cast %swap3A_65 : vector<16xi32> to vector<16xi32>
    %swap3A_67 = vector.shape_cast %select_n3A_63 : vector<16xi32> to vector<16xi32>
    tpu.vector_store %arg6[%swap3A_64], %swap3A_67 {strides = array<i32>} : memref<512xi32, #tpu.memory_space<vmem>>, vector<16xi32>,
    %get3A_68 = arith.constant 48 : index
    %get3A_69 = tpu.vector_load %arg5[%get3A_68] {strides = array<i32>} : memref<512xi32, #tpu.memory_space<vmem>>, vector<16xi32>,
    %get3A_70 = vector.shape_cast %get3A_69 : vector<16xi32> to vector<16xi32>
    %iota3A_71 = tpu.iota {dimensions = array<i32: 0>} : vector<16xi32>
    %add3A_72 = arith.constant 48 : i32
    %add3A_73 = arith.addi %select_n3A_11, %add3A_72 : i32
    %add3A_74 = arith.constant 2 : i32
    %add3A_75 = arith.addi %add3A_73, %add3A_74 : i32
    %add3A_76 = vector.broadcast %add3A_75 : i32 to vector<16xi32>
    %add3A_77 = arith.addi %iota3A_71, %add3A_76 : vector<16xi32>
    %ne3A_78 = arith.constant 1 : i32
    %ne3A_79 = vector.broadcast %ne3A_78 : i32 to vector<16xi32>
    %ne3A_80 = arith.cmpi ne, %get3A_70, %ne3A_79 : vector<16xi32>
    %jit3A_81 = arith.constant 1 : i32
    %broadcast_in_dim3A_82 = vector.broadcast %jit3A_81 : i32 to vector<16xi32>
    %select_n3A_83 = arith.select %ne3A_80, %add3A_77, %broadcast_in_dim3A_82 : vector<16xi1>, vector<16xi32>
    %swap3A_84 = arith.constant 48 : index
    %swap3A_85 = tpu.vector_load %arg6[%swap3A_84] {strides = array<i32>} : memref<512xi32, #tpu.memory_space<vmem>>, vector<16xi32>,
    %swap3A_86 = vector.shape_cast %swap3A_85 : vector<16xi32> to vector<16xi32>
    %swap3A_87 = vector.shape_cast %select_n3A_83 : vector<16xi32> to vector<16xi32>
    tpu.vector_store %arg6[%swap3A_84], %swap3A_87 {strides = array<i32>} : memref<512xi32, #tpu.memory_space<vmem>>, vector<16xi32>,
    %get3A_88 = arith.constant 64 : index
    %get3A_89 = tpu.vector_load %arg5[%get3A_88] {strides = array<i32>} : memref<512xi32, #tpu.memory_space<vmem>>, vector<16xi32>,
    %get3A_90 = vector.shape_cast %get3A_89 : vector<16xi32> to vector<16xi32>
    %iota3A_91 = tpu.iota {dimensions = array<i32: 0>} : vector<16xi32>
    %add3A_92 = arith.constant 64 : i32
    %add3A_93 = arith.addi %select_n3A_11, %add3A_92 : i32
    %add3A_94 = arith.constant 2 : i32
    %add3A_95 = arith.addi %add3A_93, %add3A_94 : i32
    %add3A_96 = vector.broadcast %add3A_95 : i32 to vector<16xi32>
    %add3A_97 = arith.addi %iota3A_91, %add3A_96 : vector<16xi32>
    %ne3A_98 = arith.constant 1 : i32
    %ne3A_99 = vector.broadcast %ne3A_98 : i32 to vector<16xi32>
    %ne3A_100 = arith.cmpi ne, %get3A_90, %ne3A_99 : vector<16xi32>
    %jit3A_101 = arith.constant 1 : i32
    %broadcast_in_dim3A_102 = vector.broadcast %jit3A_101 : i32 to vector<16xi32>
    %select_n3A_103 = arith.select %ne3A_100, %add3A_97, %broadcast_in_dim3A_102 : vector<16xi1>, vector<16xi32>
    %swap3A_104 = arith.constant 64 : index
    %swap3A_105 = tpu.vector_load %arg6[%swap3A_104] {strides = array<i32>} : memref<512xi32, #tpu.memory_space<vmem>>, vector<16xi32>,
    %swap3A_106 = vector.shape_cast %swap3A_105 : vector<16xi32> to vector<16xi32>
    %swap3A_107 = vector.shape_cast %select_n3A_103 : vector<16xi32> to vector<16xi32>
    tpu.vector_store %arg6[%swap3A_104], %swap3A_107 {strides = array<i32>} : memref<512xi32, #tpu.memory_space<vmem>>, vector<16xi32>,
    %get3A_108 = arith.constant 80 : index
    %get3A_109 = tpu.vector_load %arg5[%get3A_108] {strides = array<i32>} : memref<512xi32, #tpu.memory_space<vmem>>, vector<16xi32>,
    %get3A_110 = vector.shape_cast %get3A_109 : vector<16xi32> to vector<16xi32>
    %iota3A_111 = tpu.iota {dimensions = array<i32: 0>} : vector<16xi32>
    %add3A_112 = arith.constant 80 : i32
    %add3A_113 = arith.addi %select_n3A_11, %add3A_112 : i32
    %add3A_114 = arith.constant 2 : i32
    %add3A_115 = arith.addi %add3A_113, %add3A_114 : i32
    %add3A_116 = vector.broadcast %add3A_115 : i32 to vector<16xi32>
    %add3A_117 = arith.addi %iota3A_111, %add3A_116 : vector<16xi32>
    %ne3A_118 = arith.constant 1 : i32
    %ne3A_119 = vector.broadcast %ne3A_118 : i32 to vector<16xi32>
    %ne3A_120 = arith.cmpi ne, %get3A_110, %ne3A_119 : vector<16xi32>
    %jit3A_121 = arith.constant 1 : i32
    %broadcast_in_dim3A_122 = vector.broadcast %jit3A_121 : i32 to vector<16xi32>
    %select_n3A_123 = arith.select %ne3A_120, %add3A_117, %broadcast_in_dim3A_122 : vector<16xi1>, vector<16xi32>
    %swap3A_124 = arith.constant 80 : index
    %swap3A_125 = tpu.vector_load %arg6[%swap3A_124] {strides = array<i32>} : memref<512xi32, #tpu.memory_space<vmem>>, vector<16xi32>,
    %swap3A_126 = vector.shape_cast %swap3A_125 : vector<16xi32> to vector<16xi32>
    %swap3A_127 = vector.shape_cast %select_n3A_123 : vector<16xi32> to vector<16xi32>
    tpu.vector_store %arg6[%swap3A_124], %swap3A_127 {strides = array<i32>} : memref<512xi32, #tpu.memory_space<vmem>>, vector<16xi32>,
    %get3A_128 = arith.constant 96 : index
    %get3A_129 = tpu.vector_load %arg5[%get3A_128] {strides = array<i32>} : memref<512xi32, #tpu.memory_space<vmem>>, vector<16xi32>,
    %get3A_130 = vector.shape_cast %get3A_129 : vector<16xi32> to vector<16xi32>
    %iota3A_131 = tpu.iota {dimensions = array<i32: 0>} : vector<16xi32>
    %add3A_132 = arith.constant 96 : i32
    %add3A_133 = arith.addi %select_n3A_11, %add3A_132 : i32
    %add3A_134 = arith.constant 2 : i32
    %add3A_135 = arith.addi %add3A_133, %add3A_134 : i32
    %add3A_136 = vector.broadcast %add3A_135 : i32 to vector<16xi32>
    %add3A_137 = arith.addi %iota3A_131, %add3A_136 : vector<16xi32>
    %ne3A_138 = arith.constant 1 : i32
    %ne3A_139 = vector.broadcast %ne3A_138 : i32 to vector<16xi32>
    %ne3A_140 = arith.cmpi ne, %get3A_130, %ne3A_139 : vector<16xi32>
    %jit3A_141 = arith.constant 1 : i32
    %broadcast_in_dim3A_142 = vector.broadcast %jit3A_141 : i32 to vector<16xi32>
    %select_n3A_143 = arith.select %ne3A_140, %add3A_137, %broadcast_in_dim3A_142 : vector<16xi1>, vector<16xi32>
    %swap3A_144 = arith.constant 96 : index
    %swap3A_145 = tpu.vector_load %arg6[%swap3A_144] {strides = array<i32>} : memref<512xi32, #tpu.memory_space<vmem>>, vector<16xi32>,
    %swap3A_146 = vector.shape_cast %swap3A_145 : vector<16xi32> to vector<16xi32>
    %swap3A_147 = vector.shape_cast %select_n3A_143 : vector<16xi32> to vector<16xi32>
    tpu.vector_store %arg6[%swap3A_144], %swap3A_147 {strides = array<i32>} : memref<512xi32, #tpu.memory_space<vmem>>, vector<16xi32>,
    %get3A_148 = arith.constant 112 : index
    %get3A_149 = tpu.vector_load %arg5[%get3A_148] {strides = array<i32>} : memref<512xi32, #tpu.memory_space<vmem>>, vector<16xi32>,
    %get3A_150 = vector.shape_cast %get3A_149 : vector<16xi32> to vector<16xi32>
    %iota3A_151 = tpu.iota {dimensions = array<i32: 0>} : vector<16xi32>
    %add3A_152 = arith.constant 112 : i32
    %add3A_153 = arith.addi %select_n3A_11, %add3A_152 : i32
    %add3A_154 = arith.constant 2 : i32
    %add3A_155 = arith.addi %add3A_153, %add3A_154 : i32
    %add3A_156 = vector.broadcast %add3A_155 : i32 to vector<16xi32>
    %add3A_157 = arith.addi %iota3A_151, %add3A_156 : vector<16xi32>
    %ne3A_158 = arith.constant 1 : i32
    %ne3A_159 = vector.broadcast %ne3A_158 : i32 to vector<16xi32>
    %ne3A_160 = arith.cmpi ne, %get3A_150, %ne3A_159 : vector<16xi32>
    %jit3A_161 = arith.constant 1 : i32
    %broadcast_in_dim3A_162 = vector.broadcast %jit3A_161 : i32 to vector<16xi32>
    %select_n3A_163 = arith.select %ne3A_160, %add3A_157, %broadcast_in_dim3A_162 : vector<16xi1>, vector<16xi32>
    %swap3A_164 = arith.constant 112 : index
    %swap3A_165 = tpu.vector_load %arg6[%swap3A_164] {strides = array<i32>} : memref<512xi32, #tpu.memory_space<vmem>>, vector<16xi32>,
    %swap3A_166 = vector.shape_cast %swap3A_165 : vector<16xi32> to vector<16xi32>
    %swap3A_167 = vector.shape_cast %select_n3A_163 : vector<16xi32> to vector<16xi32>
    tpu.vector_store %arg6[%swap3A_164], %swap3A_167 {strides = array<i32>} : memref<512xi32, #tpu.memory_space<vmem>>, vector<16xi32>,
    %get3A_168 = arith.constant 128 : index
    %get3A_169 = tpu.vector_load %arg5[%get3A_168] {strides = array<i32>} : memref<512xi32, #tpu.memory_space<vmem>>, vector<16xi32>,
    %get3A_170 = vector.shape_cast %get3A_169 : vector<16xi32> to vector<16xi32>
    %iota3A_171 = tpu.iota {dimensions = array<i32: 0>} : vector<16xi32>
    %add3A_172 = arith.constant 128 : i32
    %add3A_173 = arith.addi %select_n3A_11, %add3A_172 : i32
    %add3A_174 = arith.constant 2 : i32
    %add3A_175 = arith.addi %add3A_173, %add3A_174 : i32
    %add3A_176 = vector.broadcast %add3A_175 : i32 to vector<16xi32>
    %add3A_177 = arith.addi %iota3A_171, %add3A_176 : vector<16xi32>
    %ne3A_178 = arith.constant 1 : i32
    %ne3A_179 = vector.broadcast %ne3A_178 : i32 to vector<16xi32>
    %ne3A_180 = arith.cmpi ne, %get3A_170, %ne3A_179 : vector<16xi32>
    %jit3A_181 = arith.constant 1 : i32
    %broadcast_in_dim3A_182 = vector.broadcast %jit3A_181 : i32 to vector<16xi32>
    %select_n3A_183 = arith.select %ne3A_180, %add3A_177, %broadcast_in_dim3A_182 : vector<16xi1>, vector<16xi32>
    %swap3A_184 = arith.constant 128 : index
    %swap3A_185 = tpu.vector_load %arg6[%swap3A_184] {strides = array<i32>} : memref<512xi32, #tpu.memory_space<vmem>>, vector<16xi32>,
    %swap3A_186 = vector.shape_cast %swap3A_185 : vector<16xi32> to vector<16xi32>
    %swap3A_187 = vector.shape_cast %select_n3A_183 : vector<16xi32> to vector<16xi32>
    tpu.vector_store %arg6[%swap3A_184], %swap3A_187 {strides = array<i32>} : memref<512xi32, #tpu.memory_space<vmem>>, vector<16xi32>,
    %get3A_188 = arith.constant 144 : index
    %get3A_189 = tpu.vector_load %arg5[%get3A_188] {strides = array<i32>} : memref<512xi32, #tpu.memory_space<vmem>>, vector<16xi32>,
    %get3A_190 = vector.shape_cast %get3A_189 : vector<16xi32> to vector<16xi32>
    %iota3A_191 = tpu.iota {dimensions = array<i32: 0>} : vector<16xi32>
    %add3A_192 = arith.constant 144 : i32
    %add3A_193 = arith.addi %select_n3A_11, %add3A_192 : i32
    %add3A_194 = arith.constant 2 : i32
    %add3A_195 = arith.addi %add3A_193, %add3A_194 : i32
    %add3A_196 = vector.broadcast %add3A_195 : i32 to vector<16xi32>
    %add3A_197 = arith.addi %iota3A_191, %add3A_196 : vector<16xi32>
    %ne3A_198 = arith.constant 1 : i32
    %ne3A_199 = vector.broadcast %ne3A_198 : i32 to vector<16xi32>
    %ne3A_200 = arith.cmpi ne, %get3A_190, %ne3A_199 : vector<16xi32>
    %jit3A_201 = arith.constant 1 : i32
    %broadcast_in_dim3A_202 = vector.broadcast %jit3A_201 : i32 to vector<16xi32>
    %select_n3A_203 = arith.select %ne3A_200, %add3A_197, %broadcast_in_dim3A_202 : vector<16xi1>, vector<16xi32>
    %swap3A_204 = arith.constant 144 : index
    %swap3A_205 = tpu.vector_load %arg6[%swap3A_204] {strides = array<i32>} : memref<512xi32, #tpu.memory_space<vmem>>, vector<16xi32>,
    %swap3A_206 = vector.shape_cast %swap3A_205 : vector<16xi32> to vector<16xi32>
    %swap3A_207 = vector.shape_cast %select_n3A_203 : vector<16xi32> to vector<16xi32>
    tpu.vector_store %arg6[%swap3A_204], %swap3A_207 {strides = array<i32>} : memref<512xi32, #tpu.memory_space<vmem>>, vector<16xi32>,
    %get3A_208 = arith.constant 160 : index
    %get3A_209 = tpu.vector_load %arg5[%get3A_208] {strides = array<i32>} : memref<512xi32, #tpu.memory_space<vmem>>, vector<16xi32>,
    %get3A_210 = vector.shape_cast %get3A_209 : vector<16xi32> to vector<16xi32>
    %iota3A_211 = tpu.iota {dimensions = array<i32: 0>} : vector<16xi32>
    %add3A_212 = arith.constant 160 : i32
    %add3A_213 = arith.addi %select_n3A_11, %add3A_212 : i32
    %add3A_214 = arith.constant 2 : i32
    %add3A_215 = arith.addi %add3A_213, %add3A_214 : i32
    %add3A_216 = vector.broadcast %add3A_215 : i32 to vector<16xi32>
    %add3A_217 = arith.addi %iota3A_211, %add3A_216 : vector<16xi32>
    %ne3A_218 = arith.constant 1 : i32
    %ne3A_219 = vector.broadcast %ne3A_218 : i32 to vector<16xi32>
    %ne3A_220 = arith.cmpi ne, %get3A_210, %ne3A_219 : vector<16xi32>
    %jit3A_221 = arith.constant 1 : i32
    %broadcast_in_dim3A_222 = vector.broadcast %jit3A_221 : i32 to vector<16xi32>
    %select_n3A_223 = arith.select %ne3A_220, %add3A_217, %broadcast_in_dim3A_222 : vector<16xi1>, vector<16xi32>
    %swap3A_224 = arith.constant 160 : index
    %swap3A_225 = tpu.vector_load %arg6[%swap3A_224] {strides = array<i32>} : memref<512xi32, #tpu.memory_space<vmem>>, vector<16xi32>,
    %swap3A_226 = vector.shape_cast %swap3A_225 : vector<16xi32> to vector<16xi32>
    %swap3A_227 = vector.shape_cast %select_n3A_223 : vector<16xi32> to vector<16xi32>
    tpu.vector_store %arg6[%swap3A_224], %swap3A_227 {strides = array<i32>} : memref<512xi32, #tpu.memory_space<vmem>>, vector<16xi32>,
    %get3A_228 = arith.constant 176 : index
    %get3A_229 = tpu.vector_load %arg5[%get3A_228] {strides = array<i32>} : memref<512xi32, #tpu.memory_space<vmem>>, vector<16xi32>,
    %get3A_230 = vector.shape_cast %get3A_229 : vector<16xi32> to vector<16xi32>
    %iota3A_231 = tpu.iota {dimensions = array<i32: 0>} : vector<16xi32>
    %add3A_232 = arith.constant 176 : i32
    %add3A_233 = arith.addi %select_n3A_11, %add3A_232 : i32
    %add3A_234 = arith.constant 2 : i32
    %add3A_235 = arith.addi %add3A_233, %add3A_234 : i32
    %add3A_236 = vector.broadcast %add3A_235 : i32 to vector<16xi32>
    %add3A_237 = arith.addi %iota3A_231, %add3A_236 : vector<16xi32>
    %ne3A_238 = arith.constant 1 : i32
    %ne3A_239 = vector.broadcast %ne3A_238 : i32 to vector<16xi32>
    %ne3A_240 = arith.cmpi ne, %get3A_230, %ne3A_239 : vector<16xi32>
    %jit3A_241 = arith.constant 1 : i32
    %broadcast_in_dim3A_242 = vector.broadcast %jit3A_241 : i32 to vector<16xi32>
    %select_n3A_243 = arith.select %ne3A_240, %add3A_237, %broadcast_in_dim3A_242 : vector<16xi1>, vector<16xi32>
    %swap3A_244 = arith.constant 176 : index
    %swap3A_245 = tpu.vector_load %arg6[%swap3A_244] {strides = array<i32>} : memref<512xi32, #tpu.memory_space<vmem>>, vector<16xi32>,
    %swap3A_246 = vector.shape_cast %swap3A_245 : vector<16xi32> to vector<16xi32>
    %swap3A_247 = vector.shape_cast %select_n3A_243 : vector<16xi32> to vector<16xi32>
    tpu.vector_store %arg6[%swap3A_244], %swap3A_247 {strides = array<i32>} : memref<512xi32, #tpu.memory_space<vmem>>, vector<16xi32>,
    %get3A_248 = arith.constant 192 : index
    %get3A_249 = tpu.vector_load %arg5[%get3A_248] {strides = array<i32>} : memref<512xi32, #tpu.memory_space<vmem>>, vector<16xi32>,
    %get3A_250 = vector.shape_cast %get3A_249 : vector<16xi32> to vector<16xi32>
    %iota3A_251 = tpu.iota {dimensions = array<i32: 0>} : vector<16xi32>
    %add3A_252 = arith.constant 192 : i32
    %add3A_253 = arith.addi %select_n3A_11, %add3A_252 : i32
    %add3A_254 = arith.constant 2 : i32
    %add3A_255 = arith.addi %add3A_253, %add3A_254 : i32
    %add3A_256 = vector.broadcast %add3A_255 : i32 to vector<16xi32>
    %add3A_257 = arith.addi %iota3A_251, %add3A_256 : vector<16xi32>
    %ne3A_258 = arith.constant 1 : i32
    %ne3A_259 = vector.broadcast %ne3A_258 : i32 to vector<16xi32>
    %ne3A_260 = arith.cmpi ne, %get3A_250, %ne3A_259 : vector<16xi32>
    %jit3A_261 = arith.constant 1 : i32
    %broadcast_in_dim3A_262 = vector.broadcast %jit3A_261 : i32 to vector<16xi32>
    %select_n3A_263 = arith.select %ne3A_260, %add3A_257, %broadcast_in_dim3A_262 : vector<16xi1>, vector<16xi32>
    %swap3A_264 = arith.constant 192 : index
    %swap3A_265 = tpu.vector_load %arg6[%swap3A_264] {strides = array<i32>} : memref<512xi32, #tpu.memory_space<vmem>>, vector<16xi32>,
    %swap3A_266 = vector.shape_cast %swap3A_265 : vector<16xi32> to vector<16xi32>
    %swap3A_267 = vector.shape_cast %select_n3A_263 : vector<16xi32> to vector<16xi32>
    tpu.vector_store %arg6[%swap3A_264], %swap3A_267 {strides = array<i32>} : memref<512xi32, #tpu.memory_space<vmem>>, vector<16xi32>,
    %get3A_268 = arith.constant 208 : index
    %get3A_269 = tpu.vector_load %arg5[%get3A_268] {strides = array<i32>} : memref<512xi32, #tpu.memory_space<vmem>>, vector<16xi32>,
    %get3A_270 = vector.shape_cast %get3A_269 : vector<16xi32> to vector<16xi32>
    %iota3A_271 = tpu.iota {dimensions = array<i32: 0>} : vector<16xi32>
    %add3A_272 = arith.constant 208 : i32
    %add3A_273 = arith.addi %select_n3A_11, %add3A_272 : i32
    %add3A_274 = arith.constant 2 : i32
    %add3A_275 = arith.addi %add3A_273, %add3A_274 : i32
    %add3A_276 = vector.broadcast %add3A_275 : i32 to vector<16xi32>
    %add3A_277 = arith.addi %iota3A_271, %add3A_276 : vector<16xi32>
    %ne3A_278 = arith.constant 1 : i32
    %ne3A_279 = vector.broadcast %ne3A_278 : i32 to vector<16xi32>
    %ne3A_280 = arith.cmpi ne, %get3A_270, %ne3A_279 : vector<16xi32>
    %jit3A_281 = arith.constant 1 : i32
    %broadcast_in_dim3A_282 = vector.broadcast %jit3A_281 : i32 to vector<16xi32>
    %select_n3A_283 = arith.select %ne3A_280, %add3A_277, %broadcast_in_dim3A_282 : vector<16xi1>, vector<16xi32>
    %swap3A_284 = arith.constant 208 : index
    %swap3A_285 = tpu.vector_load %arg6[%swap3A_284] {strides = array<i32>} : memref<512xi32, #tpu.memory_space<vmem>>, vector<16xi32>,
    %swap3A_286 = vector.shape_cast %swap3A_285 : vector<16xi32> to vector<16xi32>
    %swap3A_287 = vector.shape_cast %select_n3A_283 : vector<16xi32> to vector<16xi32>
    tpu.vector_store %arg6[%swap3A_284], %swap3A_287 {strides = array<i32>} : memref<512xi32, #tpu.memory_space<vmem>>, vector<16xi32>,
    %get3A_288 = arith.constant 224 : index
    %get3A_289 = tpu.vector_load %arg5[%get3A_288] {strides = array<i32>} : memref<512xi32, #tpu.memory_space<vmem>>, vector<16xi32>,
    %get3A_290 = vector.shape_cast %get3A_289 : vector<16xi32> to vector<16xi32>
    %iota3A_291 = tpu.iota {dimensions = array<i32: 0>} : vector<16xi32>
    %add3A_292 = arith.constant 224 : i32
    %add3A_293 = arith.addi %select_n3A_11, %add3A_292 : i32
    %add3A_294 = arith.constant 2 : i32
    %add3A_295 = arith.addi %add3A_293, %add3A_294 : i32
    %add3A_296 = vector.broadcast %add3A_295 : i32 to vector<16xi32>
    %add3A_297 = arith.addi %iota3A_291, %add3A_296 : vector<16xi32>
    %ne3A_298 = arith.constant 1 : i32
    %ne3A_299 = vector.broadcast %ne3A_298 : i32 to vector<16xi32>
    %ne3A_300 = arith.cmpi ne, %get3A_290, %ne3A_299 : vector<16xi32>
    %jit3A_301 = arith.constant 1 : i32
    %broadcast_in_dim3A_302 = vector.broadcast %jit3A_301 : i32 to vector<16xi32>
    %select_n3A_303 = arith.select %ne3A_300, %add3A_297, %broadcast_in_dim3A_302 : vector<16xi1>, vector<16xi32>
    %swap3A_304 = arith.constant 224 : index
    %swap3A_305 = tpu.vector_load %arg6[%swap3A_304] {strides = array<i32>} : memref<512xi32, #tpu.memory_space<vmem>>, vector<16xi32>,
    %swap3A_306 = vector.shape_cast %swap3A_305 : vector<16xi32> to vector<16xi32>
    %swap3A_307 = vector.shape_cast %select_n3A_303 : vector<16xi32> to vector<16xi32>
    tpu.vector_store %arg6[%swap3A_304], %swap3A_307 {strides = array<i32>} : memref<512xi32, #tpu.memory_space<vmem>>, vector<16xi32>,
    %get3A_308 = arith.constant 240 : index
    %get3A_309 = tpu.vector_load %arg5[%get3A_308] {strides = array<i32>} : memref<512xi32, #tpu.memory_space<vmem>>, vector<16xi32>,
    %get3A_310 = vector.shape_cast %get3A_309 : vector<16xi32> to vector<16xi32>
    %iota3A_311 = tpu.iota {dimensions = array<i32: 0>} : vector<16xi32>
    %add3A_312 = arith.constant 240 : i32
    %add3A_313 = arith.addi %select_n3A_11, %add3A_312 : i32
    %add3A_314 = arith.constant 2 : i32
    %add3A_315 = arith.addi %add3A_313, %add3A_314 : i32
    %add3A_316 = vector.broadcast %add3A_315 : i32 to vector<16xi32>
    %add3A_317 = arith.addi %iota3A_311, %add3A_316 : vector<16xi32>
    %ne3A_318 = arith.constant 1 : i32
    %ne3A_319 = vector.broadcast %ne3A_318 : i32 to vector<16xi32>
    %ne3A_320 = arith.cmpi ne, %get3A_310, %ne3A_319 : vector<16xi32>
    %jit3A_321 = arith.constant 1 : i32
    %broadcast_in_dim3A_322 = vector.broadcast %jit3A_321 : i32 to vector<16xi32>
    %select_n3A_323 = arith.select %ne3A_320, %add3A_317, %broadcast_in_dim3A_322 : vector<16xi1>, vector<16xi32>
    %swap3A_324 = arith.constant 240 : index
    %swap3A_325 = tpu.vector_load %arg6[%swap3A_324] {strides = array<i32>} : memref<512xi32, #tpu.memory_space<vmem>>, vector<16xi32>,
    %swap3A_326 = vector.shape_cast %swap3A_325 : vector<16xi32> to vector<16xi32>
    %swap3A_327 = vector.shape_cast %select_n3A_323 : vector<16xi32> to vector<16xi32>
    tpu.vector_store %arg6[%swap3A_324], %swap3A_327 {strides = array<i32>} : memref<512xi32, #tpu.memory_space<vmem>>, vector<16xi32>,
    %get3A_328 = arith.constant 256 : index
    %get3A_329 = tpu.vector_load %arg5[%get3A_328] {strides = array<i32>} : memref<512xi32, #tpu.memory_space<vmem>>, vector<16xi32>,
    %get3A_330 = vector.shape_cast %get3A_329 : vector<16xi32> to vector<16xi32>
    %iota3A_331 = tpu.iota {dimensions = array<i32: 0>} : vector<16xi32>
    %add3A_332 = arith.constant 256 : i32
    %add3A_333 = arith.addi %select_n3A_11, %add3A_332 : i32
    %add3A_334 = arith.constant 2 : i32
    %add3A_335 = arith.addi %add3A_333, %add3A_334 : i32
    %add3A_336 = vector.broadcast %add3A_335 : i32 to vector<16xi32>
    %add3A_337 = arith.addi %iota3A_331, %add3A_336 : vector<16xi32>
    %ne3A_338 = arith.constant 1 : i32
    %ne3A_339 = vector.broadcast %ne3A_338 : i32 to vector<16xi32>
    %ne3A_340 = arith.cmpi ne, %get3A_330, %ne3A_339 : vector<16xi32>
    %jit3A_341 = arith.constant 1 : i32
    %broadcast_in_dim3A_342 = vector.broadcast %jit3A_341 : i32 to vector<16xi32>
    %select_n3A_343 = arith.select %ne3A_340, %add3A_337, %broadcast_in_dim3A_342 : vector<16xi1>, vector<16xi32>
    %swap3A_344 = arith.constant 256 : index
    %swap3A_345 = tpu.vector_load %arg6[%swap3A_344] {strides = array<i32>} : memref<512xi32, #tpu.memory_space<vmem>>, vector<16xi32>,
    %swap3A_346 = vector.shape_cast %swap3A_345 : vector<16xi32> to vector<16xi32>
    %swap3A_347 = vector.shape_cast %select_n3A_343 : vector<16xi32> to vector<16xi32>
    tpu.vector_store %arg6[%swap3A_344], %swap3A_347 {strides = array<i32>} : memref<512xi32, #tpu.memory_space<vmem>>, vector<16xi32>,
    %get3A_348 = arith.constant 272 : index
    %get3A_349 = tpu.vector_load %arg5[%get3A_348] {strides = array<i32>} : memref<512xi32, #tpu.memory_space<vmem>>, vector<16xi32>,
    %get3A_350 = vector.shape_cast %get3A_349 : vector<16xi32> to vector<16xi32>
    %iota3A_351 = tpu.iota {dimensions = array<i32: 0>} : vector<16xi32>
    %add3A_352 = arith.constant 272 : i32
    %add3A_353 = arith.addi %select_n3A_11, %add3A_352 : i32
    %add3A_354 = arith.constant 2 : i32
    %add3A_355 = arith.addi %add3A_353, %add3A_354 : i32
    %add3A_356 = vector.broadcast %add3A_355 : i32 to vector<16xi32>
    %add3A_357 = arith.addi %iota3A_351, %add3A_356 : vector<16xi32>
    %ne3A_358 = arith.constant 1 : i32
    %ne3A_359 = vector.broadcast %ne3A_358 : i32 to vector<16xi32>
    %ne3A_360 = arith.cmpi ne, %get3A_350, %ne3A_359 : vector<16xi32>
    %jit3A_361 = arith.constant 1 : i32
    %broadcast_in_dim3A_362 = vector.broadcast %jit3A_361 : i32 to vector<16xi32>
    %select_n3A_363 = arith.select %ne3A_360, %add3A_357, %broadcast_in_dim3A_362 : vector<16xi1>, vector<16xi32>
    %swap3A_364 = arith.constant 272 : index
    %swap3A_365 = tpu.vector_load %arg6[%swap3A_364] {strides = array<i32>} : memref<512xi32, #tpu.memory_space<vmem>>, vector<16xi32>,
    %swap3A_366 = vector.shape_cast %swap3A_365 : vector<16xi32> to vector<16xi32>
    %swap3A_367 = vector.shape_cast %select_n3A_363 : vector<16xi32> to vector<16xi32>
    tpu.vector_store %arg6[%swap3A_364], %swap3A_367 {strides = array<i32>} : memref<512xi32, #tpu.memory_space<vmem>>, vector<16xi32>,
    %get3A_368 = arith.constant 288 : index
    %get3A_369 = tpu.vector_load %arg5[%get3A_368] {strides = array<i32>} : memref<512xi32, #tpu.memory_space<vmem>>, vector<16xi32>,
    %get3A_370 = vector.shape_cast %get3A_369 : vector<16xi32> to vector<16xi32>
    %iota3A_371 = tpu.iota {dimensions = array<i32: 0>} : vector<16xi32>
    %add3A_372 = arith.constant 288 : i32
    %add3A_373 = arith.addi %select_n3A_11, %add3A_372 : i32
    %add3A_374 = arith.constant 2 : i32
    %add3A_375 = arith.addi %add3A_373, %add3A_374 : i32
    %add3A_376 = vector.broadcast %add3A_375 : i32 to vector<16xi32>
    %add3A_377 = arith.addi %iota3A_371, %add3A_376 : vector<16xi32>
    %ne3A_378 = arith.constant 1 : i32
    %ne3A_379 = vector.broadcast %ne3A_378 : i32 to vector<16xi32>
    %ne3A_380 = arith.cmpi ne, %get3A_370, %ne3A_379 : vector<16xi32>
    %jit3A_381 = arith.constant 1 : i32
    %broadcast_in_dim3A_382 = vector.broadcast %jit3A_381 : i32 to vector<16xi32>
    %select_n3A_383 = arith.select %ne3A_380, %add3A_377, %broadcast_in_dim3A_382 : vector<16xi1>, vector<16xi32>
    %swap3A_384 = arith.constant 288 : index
    %swap3A_385 = tpu.vector_load %arg6[%swap3A_384] {strides = array<i32>} : memref<512xi32, #tpu.memory_space<vmem>>, vector<16xi32>,
    %swap3A_386 = vector.shape_cast %swap3A_385 : vector<16xi32> to vector<16xi32>
    %swap3A_387 = vector.shape_cast %select_n3A_383 : vector<16xi32> to vector<16xi32>
    tpu.vector_store %arg6[%swap3A_384], %swap3A_387 {strides = array<i32>} : memref<512xi32, #tpu.memory_space<vmem>>, vector<16xi32>,
    %get3A_388 = arith.constant 304 : index
    %get3A_389 = tpu.vector_load %arg5[%get3A_388] {strides = array<i32>} : memref<512xi32, #tpu.memory_space<vmem>>, vector<16xi32>,
    %get3A_390 = vector.shape_cast %get3A_389 : vector<16xi32> to vector<16xi32>
    %iota3A_391 = tpu.iota {dimensions = array<i32: 0>} : vector<16xi32>
    %add3A_392 = arith.constant 304 : i32
    %add3A_393 = arith.addi %select_n3A_11, %add3A_392 : i32
    %add3A_394 = arith.constant 2 : i32
    %add3A_395 = arith.addi %add3A_393, %add3A_394 : i32
    %add3A_396 = vector.broadcast %add3A_395 : i32 to vector<16xi32>
    %add3A_397 = arith.addi %iota3A_391, %add3A_396 : vector<16xi32>
    %ne3A_398 = arith.constant 1 : i32
    %ne3A_399 = vector.broadcast %ne3A_398 : i32 to vector<16xi32>
    %ne3A_400 = arith.cmpi ne, %get3A_390, %ne3A_399 : vector<16xi32>
    %jit3A_401 = arith.constant 1 : i32
    %broadcast_in_dim3A_402 = vector.broadcast %jit3A_401 : i32 to vector<16xi32>
    %select_n3A_403 = arith.select %ne3A_400, %add3A_397, %broadcast_in_dim3A_402 : vector<16xi1>, vector<16xi32>
    %swap3A_404 = arith.constant 304 : index
    %swap3A_405 = tpu.vector_load %arg6[%swap3A_404] {strides = array<i32>} : memref<512xi32, #tpu.memory_space<vmem>>, vector<16xi32>,
    %swap3A_406 = vector.shape_cast %swap3A_405 : vector<16xi32> to vector<16xi32>
    %swap3A_407 = vector.shape_cast %select_n3A_403 : vector<16xi32> to vector<16xi32>
    tpu.vector_store %arg6[%swap3A_404], %swap3A_407 {strides = array<i32>} : memref<512xi32, #tpu.memory_space<vmem>>, vector<16xi32>,
    %get3A_408 = arith.constant 320 : index
    %get3A_409 = tpu.vector_load %arg5[%get3A_408] {strides = array<i32>} : memref<512xi32, #tpu.memory_space<vmem>>, vector<16xi32>,
    %get3A_410 = vector.shape_cast %get3A_409 : vector<16xi32> to vector<16xi32>
    %iota3A_411 = tpu.iota {dimensions = array<i32: 0>} : vector<16xi32>
    %add3A_412 = arith.constant 320 : i32
    %add3A_413 = arith.addi %select_n3A_11, %add3A_412 : i32
    %add3A_414 = arith.constant 2 : i32
    %add3A_415 = arith.addi %add3A_413, %add3A_414 : i32
    %add3A_416 = vector.broadcast %add3A_415 : i32 to vector<16xi32>
    %add3A_417 = arith.addi %iota3A_411, %add3A_416 : vector<16xi32>
    %ne3A_418 = arith.constant 1 : i32
    %ne3A_419 = vector.broadcast %ne3A_418 : i32 to vector<16xi32>
    %ne3A_420 = arith.cmpi ne, %get3A_410, %ne3A_419 : vector<16xi32>
    %jit3A_421 = arith.constant 1 : i32
    %broadcast_in_dim3A_422 = vector.broadcast %jit3A_421 : i32 to vector<16xi32>
    %select_n3A_423 = arith.select %ne3A_420, %add3A_417, %broadcast_in_dim3A_422 : vector<16xi1>, vector<16xi32>
    %swap3A_424 = arith.constant 320 : index
    %swap3A_425 = tpu.vector_load %arg6[%swap3A_424] {strides = array<i32>} : memref<512xi32, #tpu.memory_space<vmem>>, vector<16xi32>,
    %swap3A_426 = vector.shape_cast %swap3A_425 : vector<16xi32> to vector<16xi32>
    %swap3A_427 = vector.shape_cast %select_n3A_423 : vector<16xi32> to vector<16xi32>
    tpu.vector_store %arg6[%swap3A_424], %swap3A_427 {strides = array<i32>} : memref<512xi32, #tpu.memory_space<vmem>>, vector<16xi32>,
    %get3A_428 = arith.constant 336 : index
    %get3A_429 = tpu.vector_load %arg5[%get3A_428] {strides = array<i32>} : memref<512xi32, #tpu.memory_space<vmem>>, vector<16xi32>,
    %get3A_430 = vector.shape_cast %get3A_429 : vector<16xi32> to vector<16xi32>
    %iota3A_431 = tpu.iota {dimensions = array<i32: 0>} : vector<16xi32>
    %add3A_432 = arith.constant 336 : i32
    %add3A_433 = arith.addi %select_n3A_11, %add3A_432 : i32
    %add3A_434 = arith.constant 2 : i32
    %add3A_435 = arith.addi %add3A_433, %add3A_434 : i32
    %add3A_436 = vector.broadcast %add3A_435 : i32 to vector<16xi32>
    %add3A_437 = arith.addi %iota3A_431, %add3A_436 : vector<16xi32>
    %ne3A_438 = arith.constant 1 : i32
    %ne3A_439 = vector.broadcast %ne3A_438 : i32 to vector<16xi32>
    %ne3A_440 = arith.cmpi ne, %get3A_430, %ne3A_439 : vector<16xi32>
    %jit3A_441 = arith.constant 1 : i32
    %broadcast_in_dim3A_442 = vector.broadcast %jit3A_441 : i32 to vector<16xi32>
    %select_n3A_443 = arith.select %ne3A_440, %add3A_437, %broadcast_in_dim3A_442 : vector<16xi1>, vector<16xi32>
    %swap3A_444 = arith.constant 336 : index
    %swap3A_445 = tpu.vector_load %arg6[%swap3A_444] {strides = array<i32>} : memref<512xi32, #tpu.memory_space<vmem>>, vector<16xi32>,
    %swap3A_446 = vector.shape_cast %swap3A_445 : vector<16xi32> to vector<16xi32>
    %swap3A_447 = vector.shape_cast %select_n3A_443 : vector<16xi32> to vector<16xi32>
    tpu.vector_store %arg6[%swap3A_444], %swap3A_447 {strides = array<i32>} : memref<512xi32, #tpu.memory_space<vmem>>, vector<16xi32>,
    %get3A_448 = arith.constant 352 : index
    %get3A_449 = tpu.vector_load %arg5[%get3A_448] {strides = array<i32>} : memref<512xi32, #tpu.memory_space<vmem>>, vector<16xi32>,
    %get3A_450 = vector.shape_cast %get3A_449 : vector<16xi32> to vector<16xi32>
    %iota3A_451 = tpu.iota {dimensions = array<i32: 0>} : vector<16xi32>
    %add3A_452 = arith.constant 352 : i32
    %add3A_453 = arith.addi %select_n3A_11, %add3A_452 : i32
    %add3A_454 = arith.constant 2 : i32
    %add3A_455 = arith.addi %add3A_453, %add3A_454 : i32
    %add3A_456 = vector.broadcast %add3A_455 : i32 to vector<16xi32>
    %add3A_457 = arith.addi %iota3A_451, %add3A_456 : vector<16xi32>
    %ne3A_458 = arith.constant 1 : i32
    %ne3A_459 = vector.broadcast %ne3A_458 : i32 to vector<16xi32>
    %ne3A_460 = arith.cmpi ne, %get3A_450, %ne3A_459 : vector<16xi32>
    %jit3A_461 = arith.constant 1 : i32
    %broadcast_in_dim3A_462 = vector.broadcast %jit3A_461 : i32 to vector<16xi32>
    %select_n3A_463 = arith.select %ne3A_460, %add3A_457, %broadcast_in_dim3A_462 : vector<16xi1>, vector<16xi32>
    %swap3A_464 = arith.constant 352 : index
    %swap3A_465 = tpu.vector_load %arg6[%swap3A_464] {strides = array<i32>} : memref<512xi32, #tpu.memory_space<vmem>>, vector<16xi32>,
    %swap3A_466 = vector.shape_cast %swap3A_465 : vector<16xi32> to vector<16xi32>
    %swap3A_467 = vector.shape_cast %select_n3A_463 : vector<16xi32> to vector<16xi32>
    tpu.vector_store %arg6[%swap3A_464], %swap3A_467 {strides = array<i32>} : memref<512xi32, #tpu.memory_space<vmem>>, vector<16xi32>,
    %get3A_468 = arith.constant 368 : index
    %get3A_469 = tpu.vector_load %arg5[%get3A_468] {strides = array<i32>} : memref<512xi32, #tpu.memory_space<vmem>>, vector<16xi32>,
    %get3A_470 = vector.shape_cast %get3A_469 : vector<16xi32> to vector<16xi32>
    %iota3A_471 = tpu.iota {dimensions = array<i32: 0>} : vector<16xi32>
    %add3A_472 = arith.constant 368 : i32
    %add3A_473 = arith.addi %select_n3A_11, %add3A_472 : i32
    %add3A_474 = arith.constant 2 : i32
    %add3A_475 = arith.addi %add3A_473, %add3A_474 : i32
    %add3A_476 = vector.broadcast %add3A_475 : i32 to vector<16xi32>
    %add3A_477 = arith.addi %iota3A_471, %add3A_476 : vector<16xi32>
    %ne3A_478 = arith.constant 1 : i32
    %ne3A_479 = vector.broadcast %ne3A_478 : i32 to vector<16xi32>
    %ne3A_480 = arith.cmpi ne, %get3A_470, %ne3A_479 : vector<16xi32>
    %jit3A_481 = arith.constant 1 : i32
    %broadcast_in_dim3A_482 = vector.broadcast %jit3A_481 : i32 to vector<16xi32>
    %select_n3A_483 = arith.select %ne3A_480, %add3A_477, %broadcast_in_dim3A_482 : vector<16xi1>, vector<16xi32>
    %swap3A_484 = arith.constant 368 : index
    %swap3A_485 = tpu.vector_load %arg6[%swap3A_484] {strides = array<i32>} : memref<512xi32, #tpu.memory_space<vmem>>, vector<16xi32>,
    %swap3A_486 = vector.shape_cast %swap3A_485 : vector<16xi32> to vector<16xi32>
    %swap3A_487 = vector.shape_cast %select_n3A_483 : vector<16xi32> to vector<16xi32>
    tpu.vector_store %arg6[%swap3A_484], %swap3A_487 {strides = array<i32>} : memref<512xi32, #tpu.memory_space<vmem>>, vector<16xi32>,
    %get3A_488 = arith.constant 384 : index
    %get3A_489 = tpu.vector_load %arg5[%get3A_488] {strides = array<i32>} : memref<512xi32, #tpu.memory_space<vmem>>, vector<16xi32>,
    %get3A_490 = vector.shape_cast %get3A_489 : vector<16xi32> to vector<16xi32>
    %iota3A_491 = tpu.iota {dimensions = array<i32: 0>} : vector<16xi32>
    %add3A_492 = arith.constant 384 : i32
    %add3A_493 = arith.addi %select_n3A_11, %add3A_492 : i32
    %add3A_494 = arith.constant 2 : i32
    %add3A_495 = arith.addi %add3A_493, %add3A_494 : i32
    %add3A_496 = vector.broadcast %add3A_495 : i32 to vector<16xi32>
    %add3A_497 = arith.addi %iota3A_491, %add3A_496 : vector<16xi32>
    %ne3A_498 = arith.constant 1 : i32
    %ne3A_499 = vector.broadcast %ne3A_498 : i32 to vector<16xi32>
    %ne3A_500 = arith.cmpi ne, %get3A_490, %ne3A_499 : vector<16xi32>
    %jit3A_501 = arith.constant 1 : i32
    %broadcast_in_dim3A_502 = vector.broadcast %jit3A_501 : i32 to vector<16xi32>
    %select_n3A_503 = arith.select %ne3A_500, %add3A_497, %broadcast_in_dim3A_502 : vector<16xi1>, vector<16xi32>
    %swap3A_504 = arith.constant 384 : index
    %swap3A_505 = tpu.vector_load %arg6[%swap3A_504] {strides = array<i32>} : memref<512xi32, #tpu.memory_space<vmem>>, vector<16xi32>,
    %swap3A_506 = vector.shape_cast %swap3A_505 : vector<16xi32> to vector<16xi32>
    %swap3A_507 = vector.shape_cast %select_n3A_503 : vector<16xi32> to vector<16xi32>
    tpu.vector_store %arg6[%swap3A_504], %swap3A_507 {strides = array<i32>} : memref<512xi32, #tpu.memory_space<vmem>>, vector<16xi32>,
    %get3A_508 = arith.constant 400 : index
    %get3A_509 = tpu.vector_load %arg5[%get3A_508] {strides = array<i32>} : memref<512xi32, #tpu.memory_space<vmem>>, vector<16xi32>,
    %get3A_510 = vector.shape_cast %get3A_509 : vector<16xi32> to vector<16xi32>
    %iota3A_511 = tpu.iota {dimensions = array<i32: 0>} : vector<16xi32>
    %add3A_512 = arith.constant 400 : i32
    %add3A_513 = arith.addi %select_n3A_11, %add3A_512 : i32
    %add3A_514 = arith.constant 2 : i32
    %add3A_515 = arith.addi %add3A_513, %add3A_514 : i32
    %add3A_516 = vector.broadcast %add3A_515 : i32 to vector<16xi32>
    %add3A_517 = arith.addi %iota3A_511, %add3A_516 : vector<16xi32>
    %ne3A_518 = arith.constant 1 : i32
    %ne3A_519 = vector.broadcast %ne3A_518 : i32 to vector<16xi32>
    %ne3A_520 = arith.cmpi ne, %get3A_510, %ne3A_519 : vector<16xi32>
    %jit3A_521 = arith.constant 1 : i32
    %broadcast_in_dim3A_522 = vector.broadcast %jit3A_521 : i32 to vector<16xi32>
    %select_n3A_523 = arith.select %ne3A_520, %add3A_517, %broadcast_in_dim3A_522 : vector<16xi1>, vector<16xi32>
    %swap3A_524 = arith.constant 400 : index
    %swap3A_525 = tpu.vector_load %arg6[%swap3A_524] {strides = array<i32>} : memref<512xi32, #tpu.memory_space<vmem>>, vector<16xi32>,
    %swap3A_526 = vector.shape_cast %swap3A_525 : vector<16xi32> to vector<16xi32>
    %swap3A_527 = vector.shape_cast %select_n3A_523 : vector<16xi32> to vector<16xi32>
    tpu.vector_store %arg6[%swap3A_524], %swap3A_527 {strides = array<i32>} : memref<512xi32, #tpu.memory_space<vmem>>, vector<16xi32>,
    %get3A_528 = arith.constant 416 : index
    %get3A_529 = tpu.vector_load %arg5[%get3A_528] {strides = array<i32>} : memref<512xi32, #tpu.memory_space<vmem>>, vector<16xi32>,
    %get3A_530 = vector.shape_cast %get3A_529 : vector<16xi32> to vector<16xi32>
    %iota3A_531 = tpu.iota {dimensions = array<i32: 0>} : vector<16xi32>
    %add3A_532 = arith.constant 416 : i32
    %add3A_533 = arith.addi %select_n3A_11, %add3A_532 : i32
    %add3A_534 = arith.constant 2 : i32
    %add3A_535 = arith.addi %add3A_533, %add3A_534 : i32
    %add3A_536 = vector.broadcast %add3A_535 : i32 to vector<16xi32>
    %add3A_537 = arith.addi %iota3A_531, %add3A_536 : vector<16xi32>
    %ne3A_538 = arith.constant 1 : i32
    %ne3A_539 = vector.broadcast %ne3A_538 : i32 to vector<16xi32>
    %ne3A_540 = arith.cmpi ne, %get3A_530, %ne3A_539 : vector<16xi32>
    %jit3A_541 = arith.constant 1 : i32
    %broadcast_in_dim3A_542 = vector.broadcast %jit3A_541 : i32 to vector<16xi32>
    %select_n3A_543 = arith.select %ne3A_540, %add3A_537, %broadcast_in_dim3A_542 : vector<16xi1>, vector<16xi32>
    %swap3A_544 = arith.constant 416 : index
    %swap3A_545 = tpu.vector_load %arg6[%swap3A_544] {strides = array<i32>} : memref<512xi32, #tpu.memory_space<vmem>>, vector<16xi32>,
    %swap3A_546 = vector.shape_cast %swap3A_545 : vector<16xi32> to vector<16xi32>
    %swap3A_547 = vector.shape_cast %select_n3A_543 : vector<16xi32> to vector<16xi32>
    tpu.vector_store %arg6[%swap3A_544], %swap3A_547 {strides = array<i32>} : memref<512xi32, #tpu.memory_space<vmem>>, vector<16xi32>,
    %get3A_548 = arith.constant 432 : index
    %get3A_549 = tpu.vector_load %arg5[%get3A_548] {strides = array<i32>} : memref<512xi32, #tpu.memory_space<vmem>>, vector<16xi32>,
    %get3A_550 = vector.shape_cast %get3A_549 : vector<16xi32> to vector<16xi32>
    %iota3A_551 = tpu.iota {dimensions = array<i32: 0>} : vector<16xi32>
    %add3A_552 = arith.constant 432 : i32
    %add3A_553 = arith.addi %select_n3A_11, %add3A_552 : i32
    %add3A_554 = arith.constant 2 : i32
    %add3A_555 = arith.addi %add3A_553, %add3A_554 : i32
    %add3A_556 = vector.broadcast %add3A_555 : i32 to vector<16xi32>
    %add3A_557 = arith.addi %iota3A_551, %add3A_556 : vector<16xi32>
    %ne3A_558 = arith.constant 1 : i32
    %ne3A_559 = vector.broadcast %ne3A_558 : i32 to vector<16xi32>
    %ne3A_560 = arith.cmpi ne, %get3A_550, %ne3A_559 : vector<16xi32>
    %jit3A_561 = arith.constant 1 : i32
    %broadcast_in_dim3A_562 = vector.broadcast %jit3A_561 : i32 to vector<16xi32>
    %select_n3A_563 = arith.select %ne3A_560, %add3A_557, %broadcast_in_dim3A_562 : vector<16xi1>, vector<16xi32>
    %swap3A_564 = arith.constant 432 : index
    %swap3A_565 = tpu.vector_load %arg6[%swap3A_564] {strides = array<i32>} : memref<512xi32, #tpu.memory_space<vmem>>, vector<16xi32>,
    %swap3A_566 = vector.shape_cast %swap3A_565 : vector<16xi32> to vector<16xi32>
    %swap3A_567 = vector.shape_cast %select_n3A_563 : vector<16xi32> to vector<16xi32>
    tpu.vector_store %arg6[%swap3A_564], %swap3A_567 {strides = array<i32>} : memref<512xi32, #tpu.memory_space<vmem>>, vector<16xi32>,
    %get3A_568 = arith.constant 448 : index
    %get3A_569 = tpu.vector_load %arg5[%get3A_568] {strides = array<i32>} : memref<512xi32, #tpu.memory_space<vmem>>, vector<16xi32>,
    %get3A_570 = vector.shape_cast %get3A_569 : vector<16xi32> to vector<16xi32>
    %iota3A_571 = tpu.iota {dimensions = array<i32: 0>} : vector<16xi32>
    %add3A_572 = arith.constant 448 : i32
    %add3A_573 = arith.addi %select_n3A_11, %add3A_572 : i32
    %add3A_574 = arith.constant 2 : i32
    %add3A_575 = arith.addi %add3A_573, %add3A_574 : i32
    %add3A_576 = vector.broadcast %add3A_575 : i32 to vector<16xi32>
    %add3A_577 = arith.addi %iota3A_571, %add3A_576 : vector<16xi32>
    %ne3A_578 = arith.constant 1 : i32
    %ne3A_579 = vector.broadcast %ne3A_578 : i32 to vector<16xi32>
    %ne3A_580 = arith.cmpi ne, %get3A_570, %ne3A_579 : vector<16xi32>
    %jit3A_581 = arith.constant 1 : i32
    %broadcast_in_dim3A_582 = vector.broadcast %jit3A_581 : i32 to vector<16xi32>
    %select_n3A_583 = arith.select %ne3A_580, %add3A_577, %broadcast_in_dim3A_582 : vector<16xi1>, vector<16xi32>
    %swap3A_584 = arith.constant 448 : index
    %swap3A_585 = tpu.vector_load %arg6[%swap3A_584] {strides = array<i32>} : memref<512xi32, #tpu.memory_space<vmem>>, vector<16xi32>,
    %swap3A_586 = vector.shape_cast %swap3A_585 : vector<16xi32> to vector<16xi32>
    %swap3A_587 = vector.shape_cast %select_n3A_583 : vector<16xi32> to vector<16xi32>
    tpu.vector_store %arg6[%swap3A_584], %swap3A_587 {strides = array<i32>} : memref<512xi32, #tpu.memory_space<vmem>>, vector<16xi32>,
    %get3A_588 = arith.constant 464 : index
    %get3A_589 = tpu.vector_load %arg5[%get3A_588] {strides = array<i32>} : memref<512xi32, #tpu.memory_space<vmem>>, vector<16xi32>,
    %get3A_590 = vector.shape_cast %get3A_589 : vector<16xi32> to vector<16xi32>
    %iota3A_591 = tpu.iota {dimensions = array<i32: 0>} : vector<16xi32>
    %add3A_592 = arith.constant 464 : i32
    %add3A_593 = arith.addi %select_n3A_11, %add3A_592 : i32
    %add3A_594 = arith.constant 2 : i32
    %add3A_595 = arith.addi %add3A_593, %add3A_594 : i32
    %add3A_596 = vector.broadcast %add3A_595 : i32 to vector<16xi32>
    %add3A_597 = arith.addi %iota3A_591, %add3A_596 : vector<16xi32>
    %ne3A_598 = arith.constant 1 : i32
    %ne3A_599 = vector.broadcast %ne3A_598 : i32 to vector<16xi32>
    %ne3A_600 = arith.cmpi ne, %get3A_590, %ne3A_599 : vector<16xi32>
    %jit3A_601 = arith.constant 1 : i32
    %broadcast_in_dim3A_602 = vector.broadcast %jit3A_601 : i32 to vector<16xi32>
    %select_n3A_603 = arith.select %ne3A_600, %add3A_597, %broadcast_in_dim3A_602 : vector<16xi1>, vector<16xi32>
    %swap3A_604 = arith.constant 464 : index
    %swap3A_605 = tpu.vector_load %arg6[%swap3A_604] {strides = array<i32>} : memref<512xi32, #tpu.memory_space<vmem>>, vector<16xi32>,
    %swap3A_606 = vector.shape_cast %swap3A_605 : vector<16xi32> to vector<16xi32>
    %swap3A_607 = vector.shape_cast %select_n3A_603 : vector<16xi32> to vector<16xi32>
    tpu.vector_store %arg6[%swap3A_604], %swap3A_607 {strides = array<i32>} : memref<512xi32, #tpu.memory_space<vmem>>, vector<16xi32>,
    %get3A_608 = arith.constant 480 : index
    %get3A_609 = tpu.vector_load %arg5[%get3A_608] {strides = array<i32>} : memref<512xi32, #tpu.memory_space<vmem>>, vector<16xi32>,
    %get3A_610 = vector.shape_cast %get3A_609 : vector<16xi32> to vector<16xi32>
    %iota3A_611 = tpu.iota {dimensions = array<i32: 0>} : vector<16xi32>
    %add3A_612 = arith.constant 480 : i32
    %add3A_613 = arith.addi %select_n3A_11, %add3A_612 : i32
    %add3A_614 = arith.constant 2 : i32
    %add3A_615 = arith.addi %add3A_613, %add3A_614 : i32
    %add3A_616 = vector.broadcast %add3A_615 : i32 to vector<16xi32>
    %add3A_617 = arith.addi %iota3A_611, %add3A_616 : vector<16xi32>
    %ne3A_618 = arith.constant 1 : i32
    %ne3A_619 = vector.broadcast %ne3A_618 : i32 to vector<16xi32>
    %ne3A_620 = arith.cmpi ne, %get3A_610, %ne3A_619 : vector<16xi32>
    %jit3A_621 = arith.constant 1 : i32
    %broadcast_in_dim3A_622 = vector.broadcast %jit3A_621 : i32 to vector<16xi32>
    %select_n3A_623 = arith.select %ne3A_620, %add3A_617, %broadcast_in_dim3A_622 : vector<16xi1>, vector<16xi32>
    %swap3A_624 = arith.constant 480 : index
    %swap3A_625 = tpu.vector_load %arg6[%swap3A_624] {strides = array<i32>} : memref<512xi32, #tpu.memory_space<vmem>>, vector<16xi32>,
    %swap3A_626 = vector.shape_cast %swap3A_625 : vector<16xi32> to vector<16xi32>
    %swap3A_627 = vector.shape_cast %select_n3A_623 : vector<16xi32> to vector<16xi32>
    tpu.vector_store %arg6[%swap3A_624], %swap3A_627 {strides = array<i32>} : memref<512xi32, #tpu.memory_space<vmem>>, vector<16xi32>,
    %get3A_628 = arith.constant 496 : index
    %get3A_629 = tpu.vector_load %arg5[%get3A_628] {strides = array<i32>} : memref<512xi32, #tpu.memory_space<vmem>>, vector<16xi32>,
    %get3A_630 = vector.shape_cast %get3A_629 : vector<16xi32> to vector<16xi32>
    %iota3A_631 = tpu.iota {dimensions = array<i32: 0>} : vector<16xi32>
    %add3A_632 = arith.constant 496 : i32
    %add3A_633 = arith.addi %select_n3A_11, %add3A_632 : i32
    %add3A_634 = arith.constant 2 : i32
    %add3A_635 = arith.addi %add3A_633, %add3A_634 : i32
    %add3A_636 = vector.broadcast %add3A_635 : i32 to vector<16xi32>
    %add3A_637 = arith.addi %iota3A_631, %add3A_636 : vector<16xi32>
    %ne3A_638 = arith.constant 1 : i32
    %ne3A_639 = vector.broadcast %ne3A_638 : i32 to vector<16xi32>
    %ne3A_640 = arith.cmpi ne, %get3A_630, %ne3A_639 : vector<16xi32>
    %jit3A_641 = arith.constant 1 : i32
    %broadcast_in_dim3A_642 = vector.broadcast %jit3A_641 : i32 to vector<16xi32>
    %select_n3A_643 = arith.select %ne3A_640, %add3A_637, %broadcast_in_dim3A_642 : vector<16xi1>, vector<16xi32>
    %swap3A_644 = arith.constant 496 : index
    %swap3A_645 = tpu.vector_load %arg6[%swap3A_644] {strides = array<i32>} : memref<512xi32, #tpu.memory_space<vmem>>, vector<16xi32>,
    %swap3A_646 = vector.shape_cast %swap3A_645 : vector<16xi32> to vector<16xi32>
    %swap3A_647 = vector.shape_cast %select_n3A_643 : vector<16xi32> to vector<16xi32>
    tpu.vector_store %arg6[%swap3A_644], %swap3A_647 {strides = array<i32>} : memref<512xi32, #tpu.memory_space<vmem>>, vector<16xi32>,
    %dma_start3A = arith.constant 0 : i32
    %dma_start3A_648 = tpu.memref_slice %arg6[%dma_start3A] : memref<512xi32, #tpu.memory_space<vmem>> -> memref<32xi32, #tpu.memory_space<vmem>>
    %dma_start3A_649 = arith.constant 0 : i32
    %dma_start3A_650 = arith.constant 0 : i32
    %dma_start3A_651 = tpu.memref_slice %arg3[%dma_start3A_649, %dma_start3A_650] : memref<8192x1024xf32, #tpu.memory_space<hbm>> -> memref<8192x1024xf32, #tpu.memory_space<hbm>>
    tpu.enqueue_indirect_dma source(%dma_start3A_651 : memref<8192x1024xf32, #tpu.memory_space<hbm>>) target(%arg7 : memref<32x1024xf32, #tpu.memory_space<vmem>>) offsets(%dma_start3A_648 : memref<32xi32, #tpu.memory_space<vmem>>) semaphore(%arg9 : memref<!tpu.dma_semaphore, #tpu.memory_space<semaphore_mem>>)
    %dma_wait3A = arith.constant 0 : i32
    %dma_wait3A_652 = tpu.memref_slice %arg6[%dma_wait3A] : memref<512xi32, #tpu.memory_space<vmem>> -> memref<32xi32, #tpu.memory_space<vmem>>
    %dma_wait3A_653 = arith.constant 0 : i32
    %dma_wait3A_654 = arith.constant 0 : i32
    %dma_wait3A_655 = tpu.memref_slice %arg3[%dma_wait3A_653, %dma_wait3A_654] : memref<8192x1024xf32, #tpu.memory_space<hbm>> -> memref<8192x1024xf32, #tpu.memory_space<hbm>>
    tpu.wait_indirect_dma semaphore(%arg9 : memref<!tpu.dma_semaphore, #tpu.memory_space<semaphore_mem>>) src(%dma_wait3A_655 : memref<8192x1024xf32, #tpu.memory_space<hbm>>) dst(%arg7 : memref<32x1024xf32, #tpu.memory_space<vmem>>)
    %add3A_656 = arith.constant 0 : i32
    %add3A_657 = arith.addi %mul3A_2, %add3A_656 : i32
    %dma_start3A_658 = arith.constant 0 : i32
    %dma_start3A_659 = tpu.memref_slice %arg4[%add3A_657, %dma_start3A_658] : memref<16384x1024xf32, #tpu.memory_space<hbm>> -> memref<32x1024xf32, #tpu.memory_space<hbm>>
    %dma_start3A_660 = arith.constant 0 : i32
    %dma_start3A_661 = tpu.memref_slice %arg4[%add3A_657, %dma_start3A_660] : memref<16384x1024xf32, #tpu.memory_space<hbm>> -> memref<32x1024xf32, #tpu.memory_space<hbm>>
    tpu.enqueue_dma source(%arg7 : memref<32x1024xf32, #tpu.memory_space<vmem>>) target(%dma_start3A_661 : memref<32x1024xf32, #tpu.memory_space<hbm>>) target_semaphore(%arg11 : memref<!tpu.dma_semaphore, #tpu.memory_space<semaphore_mem>>)
    %dma_start3A_662 = arith.constant 32 : i32
    %dma_start3A_663 = tpu.memref_slice %arg6[%dma_start3A_662] : memref<512xi32, #tpu.memory_space<vmem>> -> memref<32xi32, #tpu.memory_space<vmem>>
    %dma_start3A_664 = arith.constant 0 : i32
    %dma_start3A_665 = arith.constant 0 : i32
    %dma_start3A_666 = tpu.memref_slice %arg3[%dma_start3A_664, %dma_start3A_665] : memref<8192x1024xf32, #tpu.memory_space<hbm>> -> memref<8192x1024xf32, #tpu.memory_space<hbm>>
    tpu.enqueue_indirect_dma source(%dma_start3A_666 : memref<8192x1024xf32, #tpu.memory_space<hbm>>) target(%arg8 : memref<32x1024xf32, #tpu.memory_space<vmem>>) offsets(%dma_start3A_663 : memref<32xi32, #tpu.memory_space<vmem>>) semaphore(%arg10 : memref<!tpu.dma_semaphore, #tpu.memory_space<semaphore_mem>>)
    %dma_wait3A_667 = arith.constant 32 : i32
    %dma_wait3A_668 = tpu.memref_slice %arg6[%dma_wait3A_667] : memref<512xi32, #tpu.memory_space<vmem>> -> memref<32xi32, #tpu.memory_space<vmem>>
    %dma_wait3A_669 = arith.constant 0 : i32
    %dma_wait3A_670 = arith.constant 0 : i32
    %dma_wait3A_671 = tpu.memref_slice %arg3[%dma_wait3A_669, %dma_wait3A_670] : memref<8192x1024xf32, #tpu.memory_space<hbm>> -> memref<8192x1024xf32, #tpu.memory_space<hbm>>
    tpu.wait_indirect_dma semaphore(%arg10 : memref<!tpu.dma_semaphore, #tpu.memory_space<semaphore_mem>>) src(%dma_wait3A_671 : memref<8192x1024xf32, #tpu.memory_space<hbm>>) dst(%arg8 : memref<32x1024xf32, #tpu.memory_space<vmem>>)
    %add3A_672 = arith.constant 32 : i32
    %add3A_673 = arith.addi %mul3A_2, %add3A_672 : i32
    %dma_start3A_674 = arith.constant 0 : i32
    %dma_start3A_675 = tpu.memref_slice %arg4[%add3A_673, %dma_start3A_674] : memref<16384x1024xf32, #tpu.memory_space<hbm>> -> memref<32x1024xf32, #tpu.memory_space<hbm>>
    %dma_start3A_676 = arith.constant 0 : i32
    %dma_start3A_677 = tpu.memref_slice %arg4[%add3A_673, %dma_start3A_676] : memref<16384x1024xf32, #tpu.memory_space<hbm>> -> memref<32x1024xf32, #tpu.memory_space<hbm>>
    tpu.enqueue_dma source(%arg8 : memref<32x1024xf32, #tpu.memory_space<vmem>>) target(%dma_start3A_677 : memref<32x1024xf32, #tpu.memory_space<hbm>>) target_semaphore(%arg12 : memref<!tpu.dma_semaphore, #tpu.memory_space<semaphore_mem>>)
    %add3A_678 = arith.constant 0 : i32
    %add3A_679 = arith.addi %mul3A_2, %add3A_678 : i32
    %dma_wait3A_680 = arith.constant 0 : i32
    %dma_wait3A_681 = tpu.memref_slice %arg4[%add3A_679, %dma_wait3A_680] : memref<16384x1024xf32, #tpu.memory_space<hbm>> -> memref<32x1024xf32, #tpu.memory_space<hbm>>
    %dma_wait3A_682 = arith.constant 0 : i32
    %dma_wait3A_683 = tpu.memref_slice %arg4[%add3A_679, %dma_wait3A_682] : memref<16384x1024xf32, #tpu.memory_space<hbm>> -> memref<32x1024xf32, #tpu.memory_space<hbm>>
    tpu.wait_dma2 semaphore(%arg11 : memref<!tpu.dma_semaphore, #tpu.memory_space<semaphore_mem>>) src(%arg7 : memref<32x1024xf32, #tpu.memory_space<vmem>>) dst(%dma_wait3A_683 : memref<32x1024xf32, #tpu.memory_space<hbm>>)
    %dma_start3A_684 = arith.constant 64 : i32
    %dma_start3A_685 = tpu.memref_slice %arg6[%dma_start3A_684] : memref<512xi32, #tpu.memory_space<vmem>> -> memref<32xi32, #tpu.memory_space<vmem>>
    %dma_start3A_686 = arith.constant 0 : i32
    %dma_start3A_687 = arith.constant 0 : i32
    %dma_start3A_688 = tpu.memref_slice %arg3[%dma_start3A_686, %dma_start3A_687] : memref<8192x1024xf32, #tpu.memory_space<hbm>> -> memref<8192x1024xf32, #tpu.memory_space<hbm>>
    tpu.enqueue_indirect_dma source(%dma_start3A_688 : memref<8192x1024xf32, #tpu.memory_space<hbm>>) target(%arg7 : memref<32x1024xf32, #tpu.memory_space<vmem>>) offsets(%dma_start3A_685 : memref<32xi32, #tpu.memory_space<vmem>>) semaphore(%arg9 : memref<!tpu.dma_semaphore, #tpu.memory_space<semaphore_mem>>)
    %dma_wait3A_689 = arith.constant 64 : i32
    %dma_wait3A_690 = tpu.memref_slice %arg6[%dma_wait3A_689] : memref<512xi32, #tpu.memory_space<vmem>> -> memref<32xi32, #tpu.memory_space<vmem>>
    %dma_wait3A_691 = arith.constant 0 : i32
    %dma_wait3A_692 = arith.constant 0 : i32
    %dma_wait3A_693 = tpu.memref_slice %arg3[%dma_wait3A_691, %dma_wait3A_692] : memref<8192x1024xf32, #tpu.memory_space<hbm>> -> memref<8192x1024xf32, #tpu.memory_space<hbm>>
    tpu.wait_indirect_dma semaphore(%arg9 : memref<!tpu.dma_semaphore, #tpu.memory_space<semaphore_mem>>) src(%dma_wait3A_693 : memref<8192x1024xf32, #tpu.memory_space<hbm>>) dst(%arg7 : memref<32x1024xf32, #tpu.memory_space<vmem>>)
    %add3A_694 = arith.constant 64 : i32
    %add3A_695 = arith.addi %mul3A_2, %add3A_694 : i32
    %dma_start3A_696 = arith.constant 0 : i32
    %dma_start3A_697 = tpu.memref_slice %arg4[%add3A_695, %dma_start3A_696] : memref<16384x1024xf32, #tpu.memory_space<hbm>> -> memref<32x1024xf32, #tpu.memory_space<hbm>>
    %dma_start3A_698 = arith.constant 0 : i32
    %dma_start3A_699 = tpu.memref_slice %arg4[%add3A_695, %dma_start3A_698] : memref<16384x1024xf32, #tpu.memory_space<hbm>> -> memref<32x1024xf32, #tpu.memory_space<hbm>>
    tpu.enqueue_dma source(%arg7 : memref<32x1024xf32, #tpu.memory_space<vmem>>) target(%dma_start3A_699 : memref<32x1024xf32, #tpu.memory_space<hbm>>) target_semaphore(%arg11 : memref<!tpu.dma_semaphore, #tpu.memory_space<semaphore_mem>>)
    %add3A_700 = arith.constant 32 : i32
    %add3A_701 = arith.addi %mul3A_2, %add3A_700 : i32
    %dma_wait3A_702 = arith.constant 0 : i32
    %dma_wait3A_703 = tpu.memref_slice %arg4[%add3A_701, %dma_wait3A_702] : memref<16384x1024xf32, #tpu.memory_space<hbm>> -> memref<32x1024xf32, #tpu.memory_space<hbm>>
    %dma_wait3A_704 = arith.constant 0 : i32
    %dma_wait3A_705 = tpu.memref_slice %arg4[%add3A_701, %dma_wait3A_704] : memref<16384x1024xf32, #tpu.memory_space<hbm>> -> memref<32x1024xf32, #tpu.memory_space<hbm>>
    tpu.wait_dma2 semaphore(%arg12 : memref<!tpu.dma_semaphore, #tpu.memory_space<semaphore_mem>>) src(%arg8 : memref<32x1024xf32, #tpu.memory_space<vmem>>) dst(%dma_wait3A_705 : memref<32x1024xf32, #tpu.memory_space<hbm>>)
    %dma_start3A_706 = arith.constant 96 : i32
    %dma_start3A_707 = tpu.memref_slice %arg6[%dma_start3A_706] : memref<512xi32, #tpu.memory_space<vmem>> -> memref<32xi32, #tpu.memory_space<vmem>>
    %dma_start3A_708 = arith.constant 0 : i32
    %dma_start3A_709 = arith.constant 0 : i32
    %dma_start3A_710 = tpu.memref_slice %arg3[%dma_start3A_708, %dma_start3A_709] : memref<8192x1024xf32, #tpu.memory_space<hbm>> -> memref<8192x1024xf32, #tpu.memory_space<hbm>>
    tpu.enqueue_indirect_dma source(%dma_start3A_710 : memref<8192x1024xf32, #tpu.memory_space<hbm>>) target(%arg8 : memref<32x1024xf32, #tpu.memory_space<vmem>>) offsets(%dma_start3A_707 : memref<32xi32, #tpu.memory_space<vmem>>) semaphore(%arg10 : memref<!tpu.dma_semaphore, #tpu.memory_space<semaphore_mem>>)
    %dma_wait3A_711 = arith.constant 96 : i32
    %dma_wait3A_712 = tpu.memref_slice %arg6[%dma_wait3A_711] : memref<512xi32, #tpu.memory_space<vmem>> -> memref<32xi32, #tpu.memory_space<vmem>>
    %dma_wait3A_713 = arith.constant 0 : i32
    %dma_wait3A_714 = arith.constant 0 : i32
    %dma_wait3A_715 = tpu.memref_slice %arg3[%dma_wait3A_713, %dma_wait3A_714] : memref<8192x1024xf32, #tpu.memory_space<hbm>> -> memref<8192x1024xf32, #tpu.memory_space<hbm>>
    tpu.wait_indirect_dma semaphore(%arg10 : memref<!tpu.dma_semaphore, #tpu.memory_space<semaphore_mem>>) src(%dma_wait3A_715 : memref<8192x1024xf32, #tpu.memory_space<hbm>>) dst(%arg8 : memref<32x1024xf32, #tpu.memory_space<vmem>>)
    %add3A_716 = arith.constant 96 : i32
    %add3A_717 = arith.addi %mul3A_2, %add3A_716 : i32
    %dma_start3A_718 = arith.constant 0 : i32
    %dma_start3A_719 = tpu.memref_slice %arg4[%add3A_717, %dma_start3A_718] : memref<16384x1024xf32, #tpu.memory_space<hbm>> -> memref<32x1024xf32, #tpu.memory_space<hbm>>
    %dma_start3A_720 = arith.constant 0 : i32
    %dma_start3A_721 = tpu.memref_slice %arg4[%add3A_717, %dma_start3A_720] : memref<16384x1024xf32, #tpu.memory_space<hbm>> -> memref<32x1024xf32, #tpu.memory_space<hbm>>
    tpu.enqueue_dma source(%arg8 : memref<32x1024xf32, #tpu.memory_space<vmem>>) target(%dma_start3A_721 : memref<32x1024xf32, #tpu.memory_space<hbm>>) target_semaphore(%arg12 : memref<!tpu.dma_semaphore, #tpu.memory_space<semaphore_mem>>)
    %add3A_722 = arith.constant 64 : i32
    %add3A_723 = arith.addi %mul3A_2, %add3A_722 : i32
    %dma_wait3A_724 = arith.constant 0 : i32
    %dma_wait3A_725 = tpu.memref_slice %arg4[%add3A_723, %dma_wait3A_724] : memref<16384x1024xf32, #tpu.memory_space<hbm>> -> memref<32x1024xf32, #tpu.memory_space<hbm>>
    %dma_wait3A_726 = arith.constant 0 : i32
    %dma_wait3A_727 = tpu.memref_slice %arg4[%add3A_723, %dma_wait3A_726] : memref<16384x1024xf32, #tpu.memory_space<hbm>> -> memref<32x1024xf32, #tpu.memory_space<hbm>>
    tpu.wait_dma2 semaphore(%arg11 : memref<!tpu.dma_semaphore, #tpu.memory_space<semaphore_mem>>) src(%arg7 : memref<32x1024xf32, #tpu.memory_space<vmem>>) dst(%dma_wait3A_727 : memref<32x1024xf32, #tpu.memory_space<hbm>>)
    %dma_start3A_728 = arith.constant 128 : i32
    %dma_start3A_729 = tpu.memref_slice %arg6[%dma_start3A_728] : memref<512xi32, #tpu.memory_space<vmem>> -> memref<32xi32, #tpu.memory_space<vmem>>
    %dma_start3A_730 = arith.constant 0 : i32
    %dma_start3A_731 = arith.constant 0 : i32
    %dma_start3A_732 = tpu.memref_slice %arg3[%dma_start3A_730, %dma_start3A_731] : memref<8192x1024xf32, #tpu.memory_space<hbm>> -> memref<8192x1024xf32, #tpu.memory_space<hbm>>
    tpu.enqueue_indirect_dma source(%dma_start3A_732 : memref<8192x1024xf32, #tpu.memory_space<hbm>>) target(%arg7 : memref<32x1024xf32, #tpu.memory_space<vmem>>) offsets(%dma_start3A_729 : memref<32xi32, #tpu.memory_space<vmem>>) semaphore(%arg9 : memref<!tpu.dma_semaphore, #tpu.memory_space<semaphore_mem>>)
    %dma_wait3A_733 = arith.constant 128 : i32
    %dma_wait3A_734 = tpu.memref_slice %arg6[%dma_wait3A_733] : memref<512xi32, #tpu.memory_space<vmem>> -> memref<32xi32, #tpu.memory_space<vmem>>
    %dma_wait3A_735 = arith.constant 0 : i32
    %dma_wait3A_736 = arith.constant 0 : i32
    %dma_wait3A_737 = tpu.memref_slice %arg3[%dma_wait3A_735, %dma_wait3A_736] : memref<8192x1024xf32, #tpu.memory_space<hbm>> -> memref<8192x1024xf32, #tpu.memory_space<hbm>>
    tpu.wait_indirect_dma semaphore(%arg9 : memref<!tpu.dma_semaphore, #tpu.memory_space<semaphore_mem>>) src(%dma_wait3A_737 : memref<8192x1024xf32, #tpu.memory_space<hbm>>) dst(%arg7 : memref<32x1024xf32, #tpu.memory_space<vmem>>)
    %add3A_738 = arith.constant 128 : i32
    %add3A_739 = arith.addi %mul3A_2, %add3A_738 : i32
    %dma_start3A_740 = arith.constant 0 : i32
    %dma_start3A_741 = tpu.memref_slice %arg4[%add3A_739, %dma_start3A_740] : memref<16384x1024xf32, #tpu.memory_space<hbm>> -> memref<32x1024xf32, #tpu.memory_space<hbm>>
    %dma_start3A_742 = arith.constant 0 : i32
    %dma_start3A_743 = tpu.memref_slice %arg4[%add3A_739, %dma_start3A_742] : memref<16384x1024xf32, #tpu.memory_space<hbm>> -> memref<32x1024xf32, #tpu.memory_space<hbm>>
    tpu.enqueue_dma source(%arg7 : memref<32x1024xf32, #tpu.memory_space<vmem>>) target(%dma_start3A_743 : memref<32x1024xf32, #tpu.memory_space<hbm>>) target_semaphore(%arg11 : memref<!tpu.dma_semaphore, #tpu.memory_space<semaphore_mem>>)
    %add3A_744 = arith.constant 96 : i32
    %add3A_745 = arith.addi %mul3A_2, %add3A_744 : i32
    %dma_wait3A_746 = arith.constant 0 : i32
    %dma_wait3A_747 = tpu.memref_slice %arg4[%add3A_745, %dma_wait3A_746] : memref<16384x1024xf32, #tpu.memory_space<hbm>> -> memref<32x1024xf32, #tpu.memory_space<hbm>>
    %dma_wait3A_748 = arith.constant 0 : i32
    %dma_wait3A_749 = tpu.memref_slice %arg4[%add3A_745, %dma_wait3A_748] : memref<16384x1024xf32, #tpu.memory_space<hbm>> -> memref<32x1024xf32, #tpu.memory_space<hbm>>
    tpu.wait_dma2 semaphore(%arg12 : memref<!tpu.dma_semaphore, #tpu.memory_space<semaphore_mem>>) src(%arg8 : memref<32x1024xf32, #tpu.memory_space<vmem>>) dst(%dma_wait3A_749 : memref<32x1024xf32, #tpu.memory_space<hbm>>)
    %dma_start3A_750 = arith.constant 160 : i32
    %dma_start3A_751 = tpu.memref_slice %arg6[%dma_start3A_750] : memref<512xi32, #tpu.memory_space<vmem>> -> memref<32xi32, #tpu.memory_space<vmem>>
    %dma_start3A_752 = arith.constant 0 : i32
    %dma_start3A_753 = arith.constant 0 : i32
    %dma_start3A_754 = tpu.memref_slice %arg3[%dma_start3A_752, %dma_start3A_753] : memref<8192x1024xf32, #tpu.memory_space<hbm>> -> memref<8192x1024xf32, #tpu.memory_space<hbm>>
    tpu.enqueue_indirect_dma source(%dma_start3A_754 : memref<8192x1024xf32, #tpu.memory_space<hbm>>) target(%arg8 : memref<32x1024xf32, #tpu.memory_space<vmem>>) offsets(%dma_start3A_751 : memref<32xi32, #tpu.memory_space<vmem>>) semaphore(%arg10 : memref<!tpu.dma_semaphore, #tpu.memory_space<semaphore_mem>>)
    %dma_wait3A_755 = arith.constant 160 : i32
    %dma_wait3A_756 = tpu.memref_slice %arg6[%dma_wait3A_755] : memref<512xi32, #tpu.memory_space<vmem>> -> memref<32xi32, #tpu.memory_space<vmem>>
    %dma_wait3A_757 = arith.constant 0 : i32
    %dma_wait3A_758 = arith.constant 0 : i32
    %dma_wait3A_759 = tpu.memref_slice %arg3[%dma_wait3A_757, %dma_wait3A_758] : memref<8192x1024xf32, #tpu.memory_space<hbm>> -> memref<8192x1024xf32, #tpu.memory_space<hbm>>
    tpu.wait_indirect_dma semaphore(%arg10 : memref<!tpu.dma_semaphore, #tpu.memory_space<semaphore_mem>>) src(%dma_wait3A_759 : memref<8192x1024xf32, #tpu.memory_space<hbm>>) dst(%arg8 : memref<32x1024xf32, #tpu.memory_space<vmem>>)
    %add3A_760 = arith.constant 160 : i32
    %add3A_761 = arith.addi %mul3A_2, %add3A_760 : i32
    %dma_start3A_762 = arith.constant 0 : i32
    %dma_start3A_763 = tpu.memref_slice %arg4[%add3A_761, %dma_start3A_762] : memref<16384x1024xf32, #tpu.memory_space<hbm>> -> memref<32x1024xf32, #tpu.memory_space<hbm>>
    %dma_start3A_764 = arith.constant 0 : i32
    %dma_start3A_765 = tpu.memref_slice %arg4[%add3A_761, %dma_start3A_764] : memref<16384x1024xf32, #tpu.memory_space<hbm>> -> memref<32x1024xf32, #tpu.memory_space<hbm>>
    tpu.enqueue_dma source(%arg8 : memref<32x1024xf32, #tpu.memory_space<vmem>>) target(%dma_start3A_765 : memref<32x1024xf32, #tpu.memory_space<hbm>>) target_semaphore(%arg12 : memref<!tpu.dma_semaphore, #tpu.memory_space<semaphore_mem>>)
    %add3A_766 = arith.constant 128 : i32
    %add3A_767 = arith.addi %mul3A_2, %add3A_766 : i32
    %dma_wait3A_768 = arith.constant 0 : i32
    %dma_wait3A_769 = tpu.memref_slice %arg4[%add3A_767, %dma_wait3A_768] : memref<16384x1024xf32, #tpu.memory_space<hbm>> -> memref<32x1024xf32, #tpu.memory_space<hbm>>
    %dma_wait3A_770 = arith.constant 0 : i32
    %dma_wait3A_771 = tpu.memref_slice %arg4[%add3A_767, %dma_wait3A_770] : memref<16384x1024xf32, #tpu.memory_space<hbm>> -> memref<32x1024xf32, #tpu.memory_space<hbm>>
    tpu.wait_dma2 semaphore(%arg11 : memref<!tpu.dma_semaphore, #tpu.memory_space<semaphore_mem>>) src(%arg7 : memref<32x1024xf32, #tpu.memory_space<vmem>>) dst(%dma_wait3A_771 : memref<32x1024xf32, #tpu.memory_space<hbm>>)
    %dma_start3A_772 = arith.constant 192 : i32
    %dma_start3A_773 = tpu.memref_slice %arg6[%dma_start3A_772] : memref<512xi32, #tpu.memory_space<vmem>> -> memref<32xi32, #tpu.memory_space<vmem>>
    %dma_start3A_774 = arith.constant 0 : i32
    %dma_start3A_775 = arith.constant 0 : i32
    %dma_start3A_776 = tpu.memref_slice %arg3[%dma_start3A_774, %dma_start3A_775] : memref<8192x1024xf32, #tpu.memory_space<hbm>> -> memref<8192x1024xf32, #tpu.memory_space<hbm>>
    tpu.enqueue_indirect_dma source(%dma_start3A_776 : memref<8192x1024xf32, #tpu.memory_space<hbm>>) target(%arg7 : memref<32x1024xf32, #tpu.memory_space<vmem>>) offsets(%dma_start3A_773 : memref<32xi32, #tpu.memory_space<vmem>>) semaphore(%arg9 : memref<!tpu.dma_semaphore, #tpu.memory_space<semaphore_mem>>)
    %dma_wait3A_777 = arith.constant 192 : i32
    %dma_wait3A_778 = tpu.memref_slice %arg6[%dma_wait3A_777] : memref<512xi32, #tpu.memory_space<vmem>> -> memref<32xi32, #tpu.memory_space<vmem>>
    %dma_wait3A_779 = arith.constant 0 : i32
    %dma_wait3A_780 = arith.constant 0 : i32
    %dma_wait3A_781 = tpu.memref_slice %arg3[%dma_wait3A_779, %dma_wait3A_780] : memref<8192x1024xf32, #tpu.memory_space<hbm>> -> memref<8192x1024xf32, #tpu.memory_space<hbm>>
    tpu.wait_indirect_dma semaphore(%arg9 : memref<!tpu.dma_semaphore, #tpu.memory_space<semaphore_mem>>) src(%dma_wait3A_781 : memref<8192x1024xf32, #tpu.memory_space<hbm>>) dst(%arg7 : memref<32x1024xf32, #tpu.memory_space<vmem>>)
    %add3A_782 = arith.constant 192 : i32
    %add3A_783 = arith.addi %mul3A_2, %add3A_782 : i32
    %dma_start3A_784 = arith.constant 0 : i32
    %dma_start3A_785 = tpu.memref_slice %arg4[%add3A_783, %dma_start3A_784] : memref<16384x1024xf32, #tpu.memory_space<hbm>> -> memref<32x1024xf32, #tpu.memory_space<hbm>>
    %dma_start3A_786 = arith.constant 0 : i32
    %dma_start3A_787 = tpu.memref_slice %arg4[%add3A_783, %dma_start3A_786] : memref<16384x1024xf32, #tpu.memory_space<hbm>> -> memref<32x1024xf32, #tpu.memory_space<hbm>>
    tpu.enqueue_dma source(%arg7 : memref<32x1024xf32, #tpu.memory_space<vmem>>) target(%dma_start3A_787 : memref<32x1024xf32, #tpu.memory_space<hbm>>) target_semaphore(%arg11 : memref<!tpu.dma_semaphore, #tpu.memory_space<semaphore_mem>>)
    %add3A_788 = arith.constant 160 : i32
    %add3A_789 = arith.addi %mul3A_2, %add3A_788 : i32
    %dma_wait3A_790 = arith.constant 0 : i32
    %dma_wait3A_791 = tpu.memref_slice %arg4[%add3A_789, %dma_wait3A_790] : memref<16384x1024xf32, #tpu.memory_space<hbm>> -> memref<32x1024xf32, #tpu.memory_space<hbm>>
    %dma_wait3A_792 = arith.constant 0 : i32
    %dma_wait3A_793 = tpu.memref_slice %arg4[%add3A_789, %dma_wait3A_792] : memref<16384x1024xf32, #tpu.memory_space<hbm>> -> memref<32x1024xf32, #tpu.memory_space<hbm>>
    tpu.wait_dma2 semaphore(%arg12 : memref<!tpu.dma_semaphore, #tpu.memory_space<semaphore_mem>>) src(%arg8 : memref<32x1024xf32, #tpu.memory_space<vmem>>) dst(%dma_wait3A_793 : memref<32x1024xf32, #tpu.memory_space<hbm>>)
    %dma_start3A_794 = arith.constant 224 : i32
    %dma_start3A_795 = tpu.memref_slice %arg6[%dma_start3A_794] : memref<512xi32, #tpu.memory_space<vmem>> -> memref<32xi32, #tpu.memory_space<vmem>>
    %dma_start3A_796 = arith.constant 0 : i32
    %dma_start3A_797 = arith.constant 0 : i32
    %dma_start3A_798 = tpu.memref_slice %arg3[%dma_start3A_796, %dma_start3A_797] : memref<8192x1024xf32, #tpu.memory_space<hbm>> -> memref<8192x1024xf32, #tpu.memory_space<hbm>>
    tpu.enqueue_indirect_dma source(%dma_start3A_798 : memref<8192x1024xf32, #tpu.memory_space<hbm>>) target(%arg8 : memref<32x1024xf32, #tpu.memory_space<vmem>>) offsets(%dma_start3A_795 : memref<32xi32, #tpu.memory_space<vmem>>) semaphore(%arg10 : memref<!tpu.dma_semaphore, #tpu.memory_space<semaphore_mem>>)
    %dma_wait3A_799 = arith.constant 224 : i32
    %dma_wait3A_800 = tpu.memref_slice %arg6[%dma_wait3A_799] : memref<512xi32, #tpu.memory_space<vmem>> -> memref<32xi32, #tpu.memory_space<vmem>>
    %dma_wait3A_801 = arith.constant 0 : i32
    %dma_wait3A_802 = arith.constant 0 : i32
    %dma_wait3A_803 = tpu.memref_slice %arg3[%dma_wait3A_801, %dma_wait3A_802] : memref<8192x1024xf32, #tpu.memory_space<hbm>> -> memref<8192x1024xf32, #tpu.memory_space<hbm>>
    tpu.wait_indirect_dma semaphore(%arg10 : memref<!tpu.dma_semaphore, #tpu.memory_space<semaphore_mem>>) src(%dma_wait3A_803 : memref<8192x1024xf32, #tpu.memory_space<hbm>>) dst(%arg8 : memref<32x1024xf32, #tpu.memory_space<vmem>>)
    %add3A_804 = arith.constant 224 : i32
    %add3A_805 = arith.addi %mul3A_2, %add3A_804 : i32
    %dma_start3A_806 = arith.constant 0 : i32
    %dma_start3A_807 = tpu.memref_slice %arg4[%add3A_805, %dma_start3A_806] : memref<16384x1024xf32, #tpu.memory_space<hbm>> -> memref<32x1024xf32, #tpu.memory_space<hbm>>
    %dma_start3A_808 = arith.constant 0 : i32
    %dma_start3A_809 = tpu.memref_slice %arg4[%add3A_805, %dma_start3A_808] : memref<16384x1024xf32, #tpu.memory_space<hbm>> -> memref<32x1024xf32, #tpu.memory_space<hbm>>
    tpu.enqueue_dma source(%arg8 : memref<32x1024xf32, #tpu.memory_space<vmem>>) target(%dma_start3A_809 : memref<32x1024xf32, #tpu.memory_space<hbm>>) target_semaphore(%arg12 : memref<!tpu.dma_semaphore, #tpu.memory_space<semaphore_mem>>)
    %add3A_810 = arith.constant 192 : i32
    %add3A_811 = arith.addi %mul3A_2, %add3A_810 : i32
    %dma_wait3A_812 = arith.constant 0 : i32
    %dma_wait3A_813 = tpu.memref_slice %arg4[%add3A_811, %dma_wait3A_812] : memref<16384x1024xf32, #tpu.memory_space<hbm>> -> memref<32x1024xf32, #tpu.memory_space<hbm>>
    %dma_wait3A_814 = arith.constant 0 : i32
    %dma_wait3A_815 = tpu.memref_slice %arg4[%add3A_811, %dma_wait3A_814] : memref<16384x1024xf32, #tpu.memory_space<hbm>> -> memref<32x1024xf32, #tpu.memory_space<hbm>>
    tpu.wait_dma2 semaphore(%arg11 : memref<!tpu.dma_semaphore, #tpu.memory_space<semaphore_mem>>) src(%arg7 : memref<32x1024xf32, #tpu.memory_space<vmem>>) dst(%dma_wait3A_815 : memref<32x1024xf32, #tpu.memory_space<hbm>>)
    %dma_start3A_816 = arith.constant 256 : i32
    %dma_start3A_817 = tpu.memref_slice %arg6[%dma_start3A_816] : memref<512xi32, #tpu.memory_space<vmem>> -> memref<32xi32, #tpu.memory_space<vmem>>
    %dma_start3A_818 = arith.constant 0 : i32
    %dma_start3A_819 = arith.constant 0 : i32
    %dma_start3A_820 = tpu.memref_slice %arg3[%dma_start3A_818, %dma_start3A_819] : memref<8192x1024xf32, #tpu.memory_space<hbm>> -> memref<8192x1024xf32, #tpu.memory_space<hbm>>
    tpu.enqueue_indirect_dma source(%dma_start3A_820 : memref<8192x1024xf32, #tpu.memory_space<hbm>>) target(%arg7 : memref<32x1024xf32, #tpu.memory_space<vmem>>) offsets(%dma_start3A_817 : memref<32xi32, #tpu.memory_space<vmem>>) semaphore(%arg9 : memref<!tpu.dma_semaphore, #tpu.memory_space<semaphore_mem>>)
    %dma_wait3A_821 = arith.constant 256 : i32
    %dma_wait3A_822 = tpu.memref_slice %arg6[%dma_wait3A_821] : memref<512xi32, #tpu.memory_space<vmem>> -> memref<32xi32, #tpu.memory_space<vmem>>
    %dma_wait3A_823 = arith.constant 0 : i32
    %dma_wait3A_824 = arith.constant 0 : i32
    %dma_wait3A_825 = tpu.memref_slice %arg3[%dma_wait3A_823, %dma_wait3A_824] : memref<8192x1024xf32, #tpu.memory_space<hbm>> -> memref<8192x1024xf32, #tpu.memory_space<hbm>>
    tpu.wait_indirect_dma semaphore(%arg9 : memref<!tpu.dma_semaphore, #tpu.memory_space<semaphore_mem>>) src(%dma_wait3A_825 : memref<8192x1024xf32, #tpu.memory_space<hbm>>) dst(%arg7 : memref<32x1024xf32, #tpu.memory_space<vmem>>)
    %add3A_826 = arith.constant 256 : i32
    %add3A_827 = arith.addi %mul3A_2, %add3A_826 : i32
    %dma_start3A_828 = arith.constant 0 : i32
    %dma_start3A_829 = tpu.memref_slice %arg4[%add3A_827, %dma_start3A_828] : memref<16384x1024xf32, #tpu.memory_space<hbm>> -> memref<32x1024xf32, #tpu.memory_space<hbm>>
    %dma_start3A_830 = arith.constant 0 : i32
    %dma_start3A_831 = tpu.memref_slice %arg4[%add3A_827, %dma_start3A_830] : memref<16384x1024xf32, #tpu.memory_space<hbm>> -> memref<32x1024xf32, #tpu.memory_space<hbm>>
    tpu.enqueue_dma source(%arg7 : memref<32x1024xf32, #tpu.memory_space<vmem>>) target(%dma_start3A_831 : memref<32x1024xf32, #tpu.memory_space<hbm>>) target_semaphore(%arg11 : memref<!tpu.dma_semaphore, #tpu.memory_space<semaphore_mem>>)
    %add3A_832 = arith.constant 224 : i32
    %add3A_833 = arith.addi %mul3A_2, %add3A_832 : i32
    %dma_wait3A_834 = arith.constant 0 : i32
    %dma_wait3A_835 = tpu.memref_slice %arg4[%add3A_833, %dma_wait3A_834] : memref<16384x1024xf32, #tpu.memory_space<hbm>> -> memref<32x1024xf32, #tpu.memory_space<hbm>>
    %dma_wait3A_836 = arith.constant 0 : i32
    %dma_wait3A_837 = tpu.memref_slice %arg4[%add3A_833, %dma_wait3A_836] : memref<16384x1024xf32, #tpu.memory_space<hbm>> -> memref<32x1024xf32, #tpu.memory_space<hbm>>
    tpu.wait_dma2 semaphore(%arg12 : memref<!tpu.dma_semaphore, #tpu.memory_space<semaphore_mem>>) src(%arg8 : memref<32x1024xf32, #tpu.memory_space<vmem>>) dst(%dma_wait3A_837 : memref<32x1024xf32, #tpu.memory_space<hbm>>)
    %dma_start3A_838 = arith.constant 288 : i32
    %dma_start3A_839 = tpu.memref_slice %arg6[%dma_start3A_838] : memref<512xi32, #tpu.memory_space<vmem>> -> memref<32xi32, #tpu.memory_space<vmem>>
    %dma_start3A_840 = arith.constant 0 : i32
    %dma_start3A_841 = arith.constant 0 : i32
    %dma_start3A_842 = tpu.memref_slice %arg3[%dma_start3A_840, %dma_start3A_841] : memref<8192x1024xf32, #tpu.memory_space<hbm>> -> memref<8192x1024xf32, #tpu.memory_space<hbm>>
    tpu.enqueue_indirect_dma source(%dma_start3A_842 : memref<8192x1024xf32, #tpu.memory_space<hbm>>) target(%arg8 : memref<32x1024xf32, #tpu.memory_space<vmem>>) offsets(%dma_start3A_839 : memref<32xi32, #tpu.memory_space<vmem>>) semaphore(%arg10 : memref<!tpu.dma_semaphore, #tpu.memory_space<semaphore_mem>>)
    %dma_wait3A_843 = arith.constant 288 : i32
    %dma_wait3A_844 = tpu.memref_slice %arg6[%dma_wait3A_843] : memref<512xi32, #tpu.memory_space<vmem>> -> memref<32xi32, #tpu.memory_space<vmem>>
    %dma_wait3A_845 = arith.constant 0 : i32
    %dma_wait3A_846 = arith.constant 0 : i32
    %dma_wait3A_847 = tpu.memref_slice %arg3[%dma_wait3A_845, %dma_wait3A_846] : memref<8192x1024xf32, #tpu.memory_space<hbm>> -> memref<8192x1024xf32, #tpu.memory_space<hbm>>
    tpu.wait_indirect_dma semaphore(%arg10 : memref<!tpu.dma_semaphore, #tpu.memory_space<semaphore_mem>>) src(%dma_wait3A_847 : memref<8192x1024xf32, #tpu.memory_space<hbm>>) dst(%arg8 : memref<32x1024xf32, #tpu.memory_space<vmem>>)
    %add3A_848 = arith.constant 288 : i32
    %add3A_849 = arith.addi %mul3A_2, %add3A_848 : i32
    %dma_start3A_850 = arith.constant 0 : i32
    %dma_start3A_851 = tpu.memref_slice %arg4[%add3A_849, %dma_start3A_850] : memref<16384x1024xf32, #tpu.memory_space<hbm>> -> memref<32x1024xf32, #tpu.memory_space<hbm>>
    %dma_start3A_852 = arith.constant 0 : i32
    %dma_start3A_853 = tpu.memref_slice %arg4[%add3A_849, %dma_start3A_852] : memref<16384x1024xf32, #tpu.memory_space<hbm>> -> memref<32x1024xf32, #tpu.memory_space<hbm>>
    tpu.enqueue_dma source(%arg8 : memref<32x1024xf32, #tpu.memory_space<vmem>>) target(%dma_start3A_853 : memref<32x1024xf32, #tpu.memory_space<hbm>>) target_semaphore(%arg12 : memref<!tpu.dma_semaphore, #tpu.memory_space<semaphore_mem>>)
    %add3A_854 = arith.constant 256 : i32
    %add3A_855 = arith.addi %mul3A_2, %add3A_854 : i32
    %dma_wait3A_856 = arith.constant 0 : i32
    %dma_wait3A_857 = tpu.memref_slice %arg4[%add3A_855, %dma_wait3A_856] : memref<16384x1024xf32, #tpu.memory_space<hbm>> -> memref<32x1024xf32, #tpu.memory_space<hbm>>
    %dma_wait3A_858 = arith.constant 0 : i32
    %dma_wait3A_859 = tpu.memref_slice %arg4[%add3A_855, %dma_wait3A_858] : memref<16384x1024xf32, #tpu.memory_space<hbm>> -> memref<32x1024xf32, #tpu.memory_space<hbm>>
    tpu.wait_dma2 semaphore(%arg11 : memref<!tpu.dma_semaphore, #tpu.memory_space<semaphore_mem>>) src(%arg7 : memref<32x1024xf32, #tpu.memory_space<vmem>>) dst(%dma_wait3A_859 : memref<32x1024xf32, #tpu.memory_space<hbm>>)
    %dma_start3A_860 = arith.constant 320 : i32
    %dma_start3A_861 = tpu.memref_slice %arg6[%dma_start3A_860] : memref<512xi32, #tpu.memory_space<vmem>> -> memref<32xi32, #tpu.memory_space<vmem>>
    %dma_start3A_862 = arith.constant 0 : i32
    %dma_start3A_863 = arith.constant 0 : i32
    %dma_start3A_864 = tpu.memref_slice %arg3[%dma_start3A_862, %dma_start3A_863] : memref<8192x1024xf32, #tpu.memory_space<hbm>> -> memref<8192x1024xf32, #tpu.memory_space<hbm>>
    tpu.enqueue_indirect_dma source(%dma_start3A_864 : memref<8192x1024xf32, #tpu.memory_space<hbm>>) target(%arg7 : memref<32x1024xf32, #tpu.memory_space<vmem>>) offsets(%dma_start3A_861 : memref<32xi32, #tpu.memory_space<vmem>>) semaphore(%arg9 : memref<!tpu.dma_semaphore, #tpu.memory_space<semaphore_mem>>)
    %dma_wait3A_865 = arith.constant 320 : i32
    %dma_wait3A_866 = tpu.memref_slice %arg6[%dma_wait3A_865] : memref<512xi32, #tpu.memory_space<vmem>> -> memref<32xi32, #tpu.memory_space<vmem>>
    %dma_wait3A_867 = arith.constant 0 : i32
    %dma_wait3A_868 = arith.constant 0 : i32
    %dma_wait3A_869 = tpu.memref_slice %arg3[%dma_wait3A_867, %dma_wait3A_868] : memref<8192x1024xf32, #tpu.memory_space<hbm>> -> memref<8192x1024xf32, #tpu.memory_space<hbm>>
    tpu.wait_indirect_dma semaphore(%arg9 : memref<!tpu.dma_semaphore, #tpu.memory_space<semaphore_mem>>) src(%dma_wait3A_869 : memref<8192x1024xf32, #tpu.memory_space<hbm>>) dst(%arg7 : memref<32x1024xf32, #tpu.memory_space<vmem>>)
    %add3A_870 = arith.constant 320 : i32
    %add3A_871 = arith.addi %mul3A_2, %add3A_870 : i32
    %dma_start3A_872 = arith.constant 0 : i32
    %dma_start3A_873 = tpu.memref_slice %arg4[%add3A_871, %dma_start3A_872] : memref<16384x1024xf32, #tpu.memory_space<hbm>> -> memref<32x1024xf32, #tpu.memory_space<hbm>>
    %dma_start3A_874 = arith.constant 0 : i32
    %dma_start3A_875 = tpu.memref_slice %arg4[%add3A_871, %dma_start3A_874] : memref<16384x1024xf32, #tpu.memory_space<hbm>> -> memref<32x1024xf32, #tpu.memory_space<hbm>>
    tpu.enqueue_dma source(%arg7 : memref<32x1024xf32, #tpu.memory_space<vmem>>) target(%dma_start3A_875 : memref<32x1024xf32, #tpu.memory_space<hbm>>) target_semaphore(%arg11 : memref<!tpu.dma_semaphore, #tpu.memory_space<semaphore_mem>>)
    %add3A_876 = arith.constant 288 : i32
    %add3A_877 = arith.addi %mul3A_2, %add3A_876 : i32
    %dma_wait3A_878 = arith.constant 0 : i32
    %dma_wait3A_879 = tpu.memref_slice %arg4[%add3A_877, %dma_wait3A_878] : memref<16384x1024xf32, #tpu.memory_space<hbm>> -> memref<32x1024xf32, #tpu.memory_space<hbm>>
    %dma_wait3A_880 = arith.constant 0 : i32
    %dma_wait3A_881 = tpu.memref_slice %arg4[%add3A_877, %dma_wait3A_880] : memref<16384x1024xf32, #tpu.memory_space<hbm>> -> memref<32x1024xf32, #tpu.memory_space<hbm>>
    tpu.wait_dma2 semaphore(%arg12 : memref<!tpu.dma_semaphore, #tpu.memory_space<semaphore_mem>>) src(%arg8 : memref<32x1024xf32, #tpu.memory_space<vmem>>) dst(%dma_wait3A_881 : memref<32x1024xf32, #tpu.memory_space<hbm>>)
    %dma_start3A_882 = arith.constant 352 : i32
    %dma_start3A_883 = tpu.memref_slice %arg6[%dma_start3A_882] : memref<512xi32, #tpu.memory_space<vmem>> -> memref<32xi32, #tpu.memory_space<vmem>>
    %dma_start3A_884 = arith.constant 0 : i32
    %dma_start3A_885 = arith.constant 0 : i32
    %dma_start3A_886 = tpu.memref_slice %arg3[%dma_start3A_884, %dma_start3A_885] : memref<8192x1024xf32, #tpu.memory_space<hbm>> -> memref<8192x1024xf32, #tpu.memory_space<hbm>>
    tpu.enqueue_indirect_dma source(%dma_start3A_886 : memref<8192x1024xf32, #tpu.memory_space<hbm>>) target(%arg8 : memref<32x1024xf32, #tpu.memory_space<vmem>>) offsets(%dma_start3A_883 : memref<32xi32, #tpu.memory_space<vmem>>) semaphore(%arg10 : memref<!tpu.dma_semaphore, #tpu.memory_space<semaphore_mem>>)
    %dma_wait3A_887 = arith.constant 352 : i32
    %dma_wait3A_888 = tpu.memref_slice %arg6[%dma_wait3A_887] : memref<512xi32, #tpu.memory_space<vmem>> -> memref<32xi32, #tpu.memory_space<vmem>>
    %dma_wait3A_889 = arith.constant 0 : i32
    %dma_wait3A_890 = arith.constant 0 : i32
    %dma_wait3A_891 = tpu.memref_slice %arg3[%dma_wait3A_889, %dma_wait3A_890] : memref<8192x1024xf32, #tpu.memory_space<hbm>> -> memref<8192x1024xf32, #tpu.memory_space<hbm>>
    tpu.wait_indirect_dma semaphore(%arg10 : memref<!tpu.dma_semaphore, #tpu.memory_space<semaphore_mem>>) src(%dma_wait3A_891 : memref<8192x1024xf32, #tpu.memory_space<hbm>>) dst(%arg8 : memref<32x1024xf32, #tpu.memory_space<vmem>>)
    %add3A_892 = arith.constant 352 : i32
    %add3A_893 = arith.addi %mul3A_2, %add3A_892 : i32
    %dma_start3A_894 = arith.constant 0 : i32
    %dma_start3A_895 = tpu.memref_slice %arg4[%add3A_893, %dma_start3A_894] : memref<16384x1024xf32, #tpu.memory_space<hbm>> -> memref<32x1024xf32, #tpu.memory_space<hbm>>
    %dma_start3A_896 = arith.constant 0 : i32
    %dma_start3A_897 = tpu.memref_slice %arg4[%add3A_893, %dma_start3A_896] : memref<16384x1024xf32, #tpu.memory_space<hbm>> -> memref<32x1024xf32, #tpu.memory_space<hbm>>
    tpu.enqueue_dma source(%arg8 : memref<32x1024xf32, #tpu.memory_space<vmem>>) target(%dma_start3A_897 : memref<32x1024xf32, #tpu.memory_space<hbm>>) target_semaphore(%arg12 : memref<!tpu.dma_semaphore, #tpu.memory_space<semaphore_mem>>)
    %add3A_898 = arith.constant 320 : i32
    %add3A_899 = arith.addi %mul3A_2, %add3A_898 : i32
    %dma_wait3A_900 = arith.constant 0 : i32
    %dma_wait3A_901 = tpu.memref_slice %arg4[%add3A_899, %dma_wait3A_900] : memref<16384x1024xf32, #tpu.memory_space<hbm>> -> memref<32x1024xf32, #tpu.memory_space<hbm>>
    %dma_wait3A_902 = arith.constant 0 : i32
    %dma_wait3A_903 = tpu.memref_slice %arg4[%add3A_899, %dma_wait3A_902] : memref<16384x1024xf32, #tpu.memory_space<hbm>> -> memref<32x1024xf32, #tpu.memory_space<hbm>>
    tpu.wait_dma2 semaphore(%arg11 : memref<!tpu.dma_semaphore, #tpu.memory_space<semaphore_mem>>) src(%arg7 : memref<32x1024xf32, #tpu.memory_space<vmem>>) dst(%dma_wait3A_903 : memref<32x1024xf32, #tpu.memory_space<hbm>>)
    %dma_start3A_904 = arith.constant 384 : i32
    %dma_start3A_905 = tpu.memref_slice %arg6[%dma_start3A_904] : memref<512xi32, #tpu.memory_space<vmem>> -> memref<32xi32, #tpu.memory_space<vmem>>
    %dma_start3A_906 = arith.constant 0 : i32
    %dma_start3A_907 = arith.constant 0 : i32
    %dma_start3A_908 = tpu.memref_slice %arg3[%dma_start3A_906, %dma_start3A_907] : memref<8192x1024xf32, #tpu.memory_space<hbm>> -> memref<8192x1024xf32, #tpu.memory_space<hbm>>
    tpu.enqueue_indirect_dma source(%dma_start3A_908 : memref<8192x1024xf32, #tpu.memory_space<hbm>>) target(%arg7 : memref<32x1024xf32, #tpu.memory_space<vmem>>) offsets(%dma_start3A_905 : memref<32xi32, #tpu.memory_space<vmem>>) semaphore(%arg9 : memref<!tpu.dma_semaphore, #tpu.memory_space<semaphore_mem>>)
    %dma_wait3A_909 = arith.constant 384 : i32
    %dma_wait3A_910 = tpu.memref_slice %arg6[%dma_wait3A_909] : memref<512xi32, #tpu.memory_space<vmem>> -> memref<32xi32, #tpu.memory_space<vmem>>
    %dma_wait3A_911 = arith.constant 0 : i32
    %dma_wait3A_912 = arith.constant 0 : i32
    %dma_wait3A_913 = tpu.memref_slice %arg3[%dma_wait3A_911, %dma_wait3A_912] : memref<8192x1024xf32, #tpu.memory_space<hbm>> -> memref<8192x1024xf32, #tpu.memory_space<hbm>>
    tpu.wait_indirect_dma semaphore(%arg9 : memref<!tpu.dma_semaphore, #tpu.memory_space<semaphore_mem>>) src(%dma_wait3A_913 : memref<8192x1024xf32, #tpu.memory_space<hbm>>) dst(%arg7 : memref<32x1024xf32, #tpu.memory_space<vmem>>)
    %add3A_914 = arith.constant 384 : i32
    %add3A_915 = arith.addi %mul3A_2, %add3A_914 : i32
    %dma_start3A_916 = arith.constant 0 : i32
    %dma_start3A_917 = tpu.memref_slice %arg4[%add3A_915, %dma_start3A_916] : memref<16384x1024xf32, #tpu.memory_space<hbm>> -> memref<32x1024xf32, #tpu.memory_space<hbm>>
    %dma_start3A_918 = arith.constant 0 : i32
    %dma_start3A_919 = tpu.memref_slice %arg4[%add3A_915, %dma_start3A_918] : memref<16384x1024xf32, #tpu.memory_space<hbm>> -> memref<32x1024xf32, #tpu.memory_space<hbm>>
    tpu.enqueue_dma source(%arg7 : memref<32x1024xf32, #tpu.memory_space<vmem>>) target(%dma_start3A_919 : memref<32x1024xf32, #tpu.memory_space<hbm>>) target_semaphore(%arg11 : memref<!tpu.dma_semaphore, #tpu.memory_space<semaphore_mem>>)
    %add3A_920 = arith.constant 352 : i32
    %add3A_921 = arith.addi %mul3A_2, %add3A_920 : i32
    %dma_wait3A_922 = arith.constant 0 : i32
    %dma_wait3A_923 = tpu.memref_slice %arg4[%add3A_921, %dma_wait3A_922] : memref<16384x1024xf32, #tpu.memory_space<hbm>> -> memref<32x1024xf32, #tpu.memory_space<hbm>>
    %dma_wait3A_924 = arith.constant 0 : i32
    %dma_wait3A_925 = tpu.memref_slice %arg4[%add3A_921, %dma_wait3A_924] : memref<16384x1024xf32, #tpu.memory_space<hbm>> -> memref<32x1024xf32, #tpu.memory_space<hbm>>
    tpu.wait_dma2 semaphore(%arg12 : memref<!tpu.dma_semaphore, #tpu.memory_space<semaphore_mem>>) src(%arg8 : memref<32x1024xf32, #tpu.memory_space<vmem>>) dst(%dma_wait3A_925 : memref<32x1024xf32, #tpu.memory_space<hbm>>)
    %dma_start3A_926 = arith.constant 416 : i32
    %dma_start3A_927 = tpu.memref_slice %arg6[%dma_start3A_926] : memref<512xi32, #tpu.memory_space<vmem>> -> memref<32xi32, #tpu.memory_space<vmem>>
    %dma_start3A_928 = arith.constant 0 : i32
    %dma_start3A_929 = arith.constant 0 : i32
    %dma_start3A_930 = tpu.memref_slice %arg3[%dma_start3A_928, %dma_start3A_929] : memref<8192x1024xf32, #tpu.memory_space<hbm>> -> memref<8192x1024xf32, #tpu.memory_space<hbm>>
    tpu.enqueue_indirect_dma source(%dma_start3A_930 : memref<8192x1024xf32, #tpu.memory_space<hbm>>) target(%arg8 : memref<32x1024xf32, #tpu.memory_space<vmem>>) offsets(%dma_start3A_927 : memref<32xi32, #tpu.memory_space<vmem>>) semaphore(%arg10 : memref<!tpu.dma_semaphore, #tpu.memory_space<semaphore_mem>>)
    %dma_wait3A_931 = arith.constant 416 : i32
    %dma_wait3A_932 = tpu.memref_slice %arg6[%dma_wait3A_931] : memref<512xi32, #tpu.memory_space<vmem>> -> memref<32xi32, #tpu.memory_space<vmem>>
    %dma_wait3A_933 = arith.constant 0 : i32
    %dma_wait3A_934 = arith.constant 0 : i32
    %dma_wait3A_935 = tpu.memref_slice %arg3[%dma_wait3A_933, %dma_wait3A_934] : memref<8192x1024xf32, #tpu.memory_space<hbm>> -> memref<8192x1024xf32, #tpu.memory_space<hbm>>
    tpu.wait_indirect_dma semaphore(%arg10 : memref<!tpu.dma_semaphore, #tpu.memory_space<semaphore_mem>>) src(%dma_wait3A_935 : memref<8192x1024xf32, #tpu.memory_space<hbm>>) dst(%arg8 : memref<32x1024xf32, #tpu.memory_space<vmem>>)
    %add3A_936 = arith.constant 416 : i32
    %add3A_937 = arith.addi %mul3A_2, %add3A_936 : i32
    %dma_start3A_938 = arith.constant 0 : i32
    %dma_start3A_939 = tpu.memref_slice %arg4[%add3A_937, %dma_start3A_938] : memref<16384x1024xf32, #tpu.memory_space<hbm>> -> memref<32x1024xf32, #tpu.memory_space<hbm>>
    %dma_start3A_940 = arith.constant 0 : i32
    %dma_start3A_941 = tpu.memref_slice %arg4[%add3A_937, %dma_start3A_940] : memref<16384x1024xf32, #tpu.memory_space<hbm>> -> memref<32x1024xf32, #tpu.memory_space<hbm>>
    tpu.enqueue_dma source(%arg8 : memref<32x1024xf32, #tpu.memory_space<vmem>>) target(%dma_start3A_941 : memref<32x1024xf32, #tpu.memory_space<hbm>>) target_semaphore(%arg12 : memref<!tpu.dma_semaphore, #tpu.memory_space<semaphore_mem>>)
    %add3A_942 = arith.constant 384 : i32
    %add3A_943 = arith.addi %mul3A_2, %add3A_942 : i32
    %dma_wait3A_944 = arith.constant 0 : i32
    %dma_wait3A_945 = tpu.memref_slice %arg4[%add3A_943, %dma_wait3A_944] : memref<16384x1024xf32, #tpu.memory_space<hbm>> -> memref<32x1024xf32, #tpu.memory_space<hbm>>
    %dma_wait3A_946 = arith.constant 0 : i32
    %dma_wait3A_947 = tpu.memref_slice %arg4[%add3A_943, %dma_wait3A_946] : memref<16384x1024xf32, #tpu.memory_space<hbm>> -> memref<32x1024xf32, #tpu.memory_space<hbm>>
    tpu.wait_dma2 semaphore(%arg11 : memref<!tpu.dma_semaphore, #tpu.memory_space<semaphore_mem>>) src(%arg7 : memref<32x1024xf32, #tpu.memory_space<vmem>>) dst(%dma_wait3A_947 : memref<32x1024xf32, #tpu.memory_space<hbm>>)
    %dma_start3A_948 = arith.constant 448 : i32
    %dma_start3A_949 = tpu.memref_slice %arg6[%dma_start3A_948] : memref<512xi32, #tpu.memory_space<vmem>> -> memref<32xi32, #tpu.memory_space<vmem>>
    %dma_start3A_950 = arith.constant 0 : i32
    %dma_start3A_951 = arith.constant 0 : i32
    %dma_start3A_952 = tpu.memref_slice %arg3[%dma_start3A_950, %dma_start3A_951] : memref<8192x1024xf32, #tpu.memory_space<hbm>> -> memref<8192x1024xf32, #tpu.memory_space<hbm>>
    tpu.enqueue_indirect_dma source(%dma_start3A_952 : memref<8192x1024xf32, #tpu.memory_space<hbm>>) target(%arg7 : memref<32x1024xf32, #tpu.memory_space<vmem>>) offsets(%dma_start3A_949 : memref<32xi32, #tpu.memory_space<vmem>>) semaphore(%arg9 : memref<!tpu.dma_semaphore, #tpu.memory_space<semaphore_mem>>)
    %dma_wait3A_953 = arith.constant 448 : i32
    %dma_wait3A_954 = tpu.memref_slice %arg6[%dma_wait3A_953] : memref<512xi32, #tpu.memory_space<vmem>> -> memref<32xi32, #tpu.memory_space<vmem>>
    %dma_wait3A_955 = arith.constant 0 : i32
    %dma_wait3A_956 = arith.constant 0 : i32
    %dma_wait3A_957 = tpu.memref_slice %arg3[%dma_wait3A_955, %dma_wait3A_956] : memref<8192x1024xf32, #tpu.memory_space<hbm>> -> memref<8192x1024xf32, #tpu.memory_space<hbm>>
    tpu.wait_indirect_dma semaphore(%arg9 : memref<!tpu.dma_semaphore, #tpu.memory_space<semaphore_mem>>) src(%dma_wait3A_957 : memref<8192x1024xf32, #tpu.memory_space<hbm>>) dst(%arg7 : memref<32x1024xf32, #tpu.memory_space<vmem>>)
    %add3A_958 = arith.constant 448 : i32
    %add3A_959 = arith.addi %mul3A_2, %add3A_958 : i32
    %dma_start3A_960 = arith.constant 0 : i32
    %dma_start3A_961 = tpu.memref_slice %arg4[%add3A_959, %dma_start3A_960] : memref<16384x1024xf32, #tpu.memory_space<hbm>> -> memref<32x1024xf32, #tpu.memory_space<hbm>>
    %dma_start3A_962 = arith.constant 0 : i32
    %dma_start3A_963 = tpu.memref_slice %arg4[%add3A_959, %dma_start3A_962] : memref<16384x1024xf32, #tpu.memory_space<hbm>> -> memref<32x1024xf32, #tpu.memory_space<hbm>>
    tpu.enqueue_dma source(%arg7 : memref<32x1024xf32, #tpu.memory_space<vmem>>) target(%dma_start3A_963 : memref<32x1024xf32, #tpu.memory_space<hbm>>) target_semaphore(%arg11 : memref<!tpu.dma_semaphore, #tpu.memory_space<semaphore_mem>>)
    %add3A_964 = arith.constant 416 : i32
    %add3A_965 = arith.addi %mul3A_2, %add3A_964 : i32
    %dma_wait3A_966 = arith.constant 0 : i32
    %dma_wait3A_967 = tpu.memref_slice %arg4[%add3A_965, %dma_wait3A_966] : memref<16384x1024xf32, #tpu.memory_space<hbm>> -> memref<32x1024xf32, #tpu.memory_space<hbm>>
    %dma_wait3A_968 = arith.constant 0 : i32
    %dma_wait3A_969 = tpu.memref_slice %arg4[%add3A_965, %dma_wait3A_968] : memref<16384x1024xf32, #tpu.memory_space<hbm>> -> memref<32x1024xf32, #tpu.memory_space<hbm>>
    tpu.wait_dma2 semaphore(%arg12 : memref<!tpu.dma_semaphore, #tpu.memory_space<semaphore_mem>>) src(%arg8 : memref<32x1024xf32, #tpu.memory_space<vmem>>) dst(%dma_wait3A_969 : memref<32x1024xf32, #tpu.memory_space<hbm>>)
    %dma_start3A_970 = arith.constant 480 : i32
    %dma_start3A_971 = tpu.memref_slice %arg6[%dma_start3A_970] : memref<512xi32, #tpu.memory_space<vmem>> -> memref<32xi32, #tpu.memory_space<vmem>>
    %dma_start3A_972 = arith.constant 0 : i32
    %dma_start3A_973 = arith.constant 0 : i32
    %dma_start3A_974 = tpu.memref_slice %arg3[%dma_start3A_972, %dma_start3A_973] : memref<8192x1024xf32, #tpu.memory_space<hbm>> -> memref<8192x1024xf32, #tpu.memory_space<hbm>>
    tpu.enqueue_indirect_dma source(%dma_start3A_974 : memref<8192x1024xf32, #tpu.memory_space<hbm>>) target(%arg8 : memref<32x1024xf32, #tpu.memory_space<vmem>>) offsets(%dma_start3A_971 : memref<32xi32, #tpu.memory_space<vmem>>) semaphore(%arg10 : memref<!tpu.dma_semaphore, #tpu.memory_space<semaphore_mem>>)
    %dma_wait3A_975 = arith.constant 480 : i32
    %dma_wait3A_976 = tpu.memref_slice %arg6[%dma_wait3A_975] : memref<512xi32, #tpu.memory_space<vmem>> -> memref<32xi32, #tpu.memory_space<vmem>>
    %dma_wait3A_977 = arith.constant 0 : i32
    %dma_wait3A_978 = arith.constant 0 : i32
    %dma_wait3A_979 = tpu.memref_slice %arg3[%dma_wait3A_977, %dma_wait3A_978] : memref<8192x1024xf32, #tpu.memory_space<hbm>> -> memref<8192x1024xf32, #tpu.memory_space<hbm>>
    tpu.wait_indirect_dma semaphore(%arg10 : memref<!tpu.dma_semaphore, #tpu.memory_space<semaphore_mem>>) src(%dma_wait3A_979 : memref<8192x1024xf32, #tpu.memory_space<hbm>>) dst(%arg8 : memref<32x1024xf32, #tpu.memory_space<vmem>>)
    %add3A_980 = arith.constant 480 : i32
    %add3A_981 = arith.addi %mul3A_2, %add3A_980 : i32
    %dma_start3A_982 = arith.constant 0 : i32
    %dma_start3A_983 = tpu.memref_slice %arg4[%add3A_981, %dma_start3A_982] : memref<16384x1024xf32, #tpu.memory_space<hbm>> -> memref<32x1024xf32, #tpu.memory_space<hbm>>
    %dma_start3A_984 = arith.constant 0 : i32
    %dma_start3A_985 = tpu.memref_slice %arg4[%add3A_981, %dma_start3A_984] : memref<16384x1024xf32, #tpu.memory_space<hbm>> -> memref<32x1024xf32, #tpu.memory_space<hbm>>
    tpu.enqueue_dma source(%arg8 : memref<32x1024xf32, #tpu.memory_space<vmem>>) target(%dma_start3A_985 : memref<32x1024xf32, #tpu.memory_space<hbm>>) target_semaphore(%arg12 : memref<!tpu.dma_semaphore, #tpu.memory_space<semaphore_mem>>)
    %add3A_986 = arith.constant 448 : i32
    %add3A_987 = arith.addi %mul3A_2, %add3A_986 : i32
    %dma_wait3A_988 = arith.constant 0 : i32
    %dma_wait3A_989 = tpu.memref_slice %arg4[%add3A_987, %dma_wait3A_988] : memref<16384x1024xf32, #tpu.memory_space<hbm>> -> memref<32x1024xf32, #tpu.memory_space<hbm>>
    %dma_wait3A_990 = arith.constant 0 : i32
    %dma_wait3A_991 = tpu.memref_slice %arg4[%add3A_987, %dma_wait3A_990] : memref<16384x1024xf32, #tpu.memory_space<hbm>> -> memref<32x1024xf32, #tpu.memory_space<hbm>>
    tpu.wait_dma2 semaphore(%arg11 : memref<!tpu.dma_semaphore, #tpu.memory_space<semaphore_mem>>) src(%arg7 : memref<32x1024xf32, #tpu.memory_space<vmem>>) dst(%dma_wait3A_991 : memref<32x1024xf32, #tpu.memory_space<hbm>>)
    %add3A_992 = arith.constant 480 : i32
    %add3A_993 = arith.addi %mul3A_2, %add3A_992 : i32
    %dma_wait3A_994 = arith.constant 0 : i32
    %dma_wait3A_995 = tpu.memref_slice %arg4[%add3A_993, %dma_wait3A_994] : memref<16384x1024xf32, #tpu.memory_space<hbm>> -> memref<32x1024xf32, #tpu.memory_space<hbm>>
    %dma_wait3A_996 = arith.constant 0 : i32
    %dma_wait3A_997 = tpu.memref_slice %arg4[%add3A_993, %dma_wait3A_996] : memref<16384x1024xf32, #tpu.memory_space<hbm>> -> memref<32x1024xf32, #tpu.memory_space<hbm>>
    tpu.wait_dma2 semaphore(%arg12 : memref<!tpu.dma_semaphore, #tpu.memory_space<semaphore_mem>>) src(%arg8 : memref<32x1024xf32, #tpu.memory_space<vmem>>) dst(%dma_wait3A_997 : memref<32x1024xf32, #tpu.memory_space<hbm>>)
    return
  }
}

</mosaic_0001>

<sc_bundles>
// kernel: kernel.3.cloned.1.call-start
scs
__scs_entry_jumppad:
0x0: {  	(pc) =	sbr.rel $0x88, $3  }
0x1: {  	(tag) =	ssettag $0x0;
	lr =	simm.s32 $0x1  }
0x2: {  	[smem:$0x3F9F] =	sst lr;
	_ =	strace $0xD0000000  }
0x3: {  	_ = 	snop  }
0x4: {  	_ = 	snop  }
0x5: {  	_ = 	snop  }
0x6: {  	_ = 	snop  }
0x7: {  	_ = 	snop  }
__scs_overlays_trampoline_lowered:
0x8: {  	[smem:$0x3FAE] =	sst s0  }
0x9: {  	[smem:$0x3FAF] =	sst s1  }
0xa: {  	[smem:$0x3FB0] =	sst s2  }
0xb: {  	[smem:$0x3FB1] =	sst s3  }
0xc: {  	[smem:$0x3FB2] =	sst s4  }
0xd: {  	[smem:$0x3FB3] =	sst s5  }
0xe: {  	[smem:$0x3FB4] =	sst s6  }
0xf: {  	[smem:$0x3FB5] =	sst s7  }
0x10: {  	[smem:$0x3FB6] =	sst s8  }
0x11: {  	[smem:$0x3FB7] =	sst s9;
	s0 =	simm.s32 @!p0 $0x0  }
0x12: {  	s1 =	sld [smem:$0x3F9D];
	s0 =	simm.s32 @p0 $0x1  }
0x13: {  	[smem:$0x3FB8] =	sst s0;
	s0 =	simm.s32 @!p1 $0x0  }
0x14: {  	s2 =	sld [smem:$0x3F9C];
	s0 =	simm.s32 @p1 $0x1  }
0x15: {  	[smem:$0x3FB9] =	sst s0;
	s0 =	simm.s32 @!p2 $0x0  }
0x16: {  	s3 =	sld [smem:$0x3FDB];
	s0 =	simm.s32 @p2 $0x1  }
0x17: {  	s4 =	simm.s32 $0x1BF5;
	[smem:$0x3FBB] =	sst s0  }
0x18: {  	s0 =	sld [smem:$0x3F9E];
	_ =	swait.ge [sflag:s4], $0x0  }
0x19: {  	s7 =	sld [smem:$0x3F9F]  }
0x1a: {  	s8 =	sadd.s32 $0xFFFFE003, lr  }
0x1b: {  	s9 =	sadd.s32 $0xFFFFFEF7, lr;
	s5 =	simm.s32 $0xFFFFFFFF;
	p2 =	slt.u32 s8, $0xFFFFF086  }
0x1c: {  	p1 =	slt.u32 s9, $0xF7A;
	s5 =	simm.s32 @!p2 $0x0  }
0x1d: {  	s5 =	simm.s32 @p1 $0x1;
	p0 =	seq.s32 s7, s2  }
0x1e: {  	s7 =	smul.u32 @!p0 $0xF7A, s2;
	p2 =	seq.s32 @!p0 s5, $0x0  }
0x1f: {  	s9 =	smul.u32 $0xF7A, s1;
	s8 =	simm.s32 @!p0 $0x1BF5;
	p2 =	por !p2, p0  }
0x20: {  	[sflag:s8] =	ssyncset.s32 @!p0 $0xFFFFF086;
	s6 =	sadd.s32 @!p0 s3, s7;
	s7 =	simm.s32 @!p0 $0x108  }
0x21: {  	s3 =	sadd.s32 s3, s9;
	s6 =	sadd.s32 @!p0 $0x88, s6;
	s7 =	simm.s32 @p2 $0x1082  }
0x22: {  	[simem:s7], [sflag:s8] =	dma.local @!p0 [hbm:s6], $0xF7A  }
0x23: {  	s9 =	sor.u32 $0xD0000000, s2;
	s6 =	simm.s32 $0x108;
	_ =	swait.ge @!p0 [sflag:s8], $0x0  }
0x24: {  	s3 =	sadd.s32 $0x88, s3;
	s6 =	simm.s32 @!p1 $0x1082;
	[sflag:s4] =	ssyncset.s32 $0xFFFFF086  }
0x25: {  	[simem:s6], [sflag:s4] =	dma.local [hbm:s3], $0xF7A  }
0x26: {  	[smem:$0x3F9F] =	sst s1;
	(tag) =	ssettag s2;
	_ =	strace s9  }
0x27: {  	s1 =	sld [smem:$0x3FAF]  }
0x28: {  	s2 =	sld [smem:$0x3FB0]  }
0x29: {  	s4 =	sld [smem:$0x3FB2]  }
0x2a: {  	p0 =	seq.s32 s5, $0x0;
	s5 =	sld [smem:$0x3FB3]  }
0x2b: {  	s6 =	sld [smem:$0x3FB4]  }
0x2c: {  	s7 =	sld [smem:$0x3FB5]  }
0x2d: {  	s3 =	simm.s32 $0x108;
	s8 =	sld [smem:$0x3FB6]  }
0x2e: {  	s3 =	simm.s32 @!p0 $0x1082;
	s9 =	sld [smem:$0x3FB7]  }
0x2f: {  	lr =	sadd.s32 s0, s3;
	s0 =	sld [smem:$0x3FAE]  }
0x30: {  	s3 =	sld [smem:$0x3FB1]  }
0x31: {  	[smem:$0x3FBA] =	sst s10  }
0x32: {  	s10 =	sld [smem:$0x3FB8];
	_ =	sdelay $0x3  }
0x33: {  	p0 =	seq.s32 s10, $0x1;
	s10 =	sld [smem:$0x3FBA];
	_ =	sdelay $0x3  }
0x34: {  	[smem:$0x3FBA] =	sst s10  }
0x35: {  	s10 =	sld [smem:$0x3FB9];
	_ =	sdelay $0x3  }
0x36: {  	p1 =	seq.s32 s10, $0x1;
	s10 =	sld [smem:$0x3FBA];
	_ =	sdelay $0x3  }
0x37: {  	[smem:$0x3FBA] =	sst s10  }
0x38: {  	s10 =	sld [smem:$0x3FBB]  }
0x39: {  	_ = 	snop;
	(pc) =	sbr.ind lr, $3  }
0x3a: {  	_ = 	snop  }
0x3b: {  	_ = 	snop  }
0x3c: {  	p2 =	seq.s32 s10, $0x1;
	s10 =	sld [smem:$0x3FBA]  }
0x3d: {  	_ =	shalt  }
0x3e: {  	_ =	shalt  }
0x3f: {  	_ =	shalt  }
0x40: {  	_ =	shalt  }
0x41: {  	_ =	shalt  }
0x42: {  	_ =	shalt  }
0x43: {  	_ =	shalt  }
0x44: {  	_ =	shalt  }
0x45: {  	_ =	shalt  }
0x46: {  	_ =	shalt  }
0x47: {  	_ =	shalt  }
0x48: {  	_ =	shalt  }
0x49: {  	_ =	shalt  }
0x4a: {  	_ =	shalt  }
0x4b: {  	_ =	shalt  }
0x4c: {  	_ =	shalt  }
0x4d: {  	_ =	shalt  }
0x4e: {  	_ =	shalt  }
0x4f: {  	_ =	shalt  }
0x50: {  	_ =	shalt  }
0x51: {  	_ =	shalt  }
0x52: {  	_ =	shalt  }
0x53: {  	_ =	shalt  }
0x54: {  	_ =	shalt  }
0x55: {  	_ =	shalt  }
0x56: {  	_ =	shalt  }
0x57: {  	_ =	shalt  }
0x58: {  	_ =	shalt  }
0x59: {  	_ =	shalt  }
0x5a: {  	_ =	shalt  }
0x5b: {  	_ =	shalt  }
0x5c: {  	_ =	shalt  }
0x5d: {  	_ =	shalt  }
0x5e: {  	_ =	shalt  }
0x5f: {  	_ =	shalt  }
0x60: {  	_ =	shalt  }
0x61: {  	_ =	shalt  }
0x62: {  	_ =	shalt  }
0x63: {  	_ =	shalt  }
0x64: {  	_ =	shalt  }
0x65: {  	_ =	shalt  }
0x66: {  	_ =	shalt  }
0x67: {  	_ =	shalt  }
0x68: {  	_ =	shalt  }
0x69: {  	_ =	shalt  }
0x6a: {  	_ =	shalt  }
0x6b: {  	_ =	shalt  }
0x6c: {  	_ =	shalt  }
0x6d: {  	_ =	shalt  }
0x6e: {  	_ =	shalt  }
0x6f: {  	_ =	shalt  }
0x70: {  	_ =	shalt  }
0x71: {  	_ =	shalt  }
0x72: {  	_ =	shalt  }
0x73: {  	_ =	shalt  }
0x74: {  	_ =	shalt  }
0x75: {  	_ =	shalt  }
0x76: {  	_ =	shalt  }
0x77: {  	_ =	shalt  }
0x78: {  	_ =	shalt  }
0x79: {  	_ =	shalt  }
0x7a: {  	_ =	shalt  }
0x7b: {  	_ =	shalt  }
0x7c: {  	_ =	shalt  }
0x7d: {  	_ =	shalt  }
0x7e: {  	_ =	shalt  }
0x7f: {  	_ =	shalt  }
0x80: {  	_ =	shalt  }
0x81: {  	_ =	shalt  }
0x82: {  	_ =	shalt  }
0x83: {  	_ =	shalt  }
0x84: {  	_ =	shalt  }
0x85: {  	_ =	shalt  }
0x86: {  	_ =	shalt  }
0x87: {  	_ =	shalt  }
.Lfunc_end0:
.L_simem_size_0:
called_computation_lowered:
.L_overlay_start_0:
0x88: {  	s2 =	sld [smem:$0x3FD9]  }
0x89: {  	s3 =	sld [smem:$0x3FFE];
	_ =	sdelay $0x1  }
0x8a: {  	s1 =	srdreg.scid  }
0x8b: {  	s0 =	sand.u32 $0x1, s1  }
0x8c: {  	s17 =	sshll.u32 s0, $0xA;
	s2 =	sadd.s32 s3, s2  }
0x8d: {  	s2 =	sadd.s32 s2, s17  }
0x8e: {  	[smem:$0x3FC6] =	sst s2  }
0x8f: {  	_ = 	snop  }
0x90: {  	s2 =	sld [smem:$0x3FC8]  }
0x91: {  	s18 =	sld [smem:$0x3FD0];
	(tm) =	ssettm $0x1  }
0x92: {  	s4 =	sld [smem:$0x3FFB];
	_ =	sdelay $0x3  }
0x93: {  	_ =	strace s4  }
0x94: {  	s4 =	sld [smem:$0x3FFC];
	_ =	sdelay $0x3  }
0x95: {  	_ =	strace s4  }
0x96: {  	s4 =	sld [smem:$0x3FFD];
	_ =	sdelay $0x3  }
0x97: {  	_ =	strace s4  }
0x98: {  	_ =	strace $0x8FFFFFFF  }
0x99: {  	s19 =	sld [smem:$0x3FDB];
	_ =	sdelay $0x1  }
0x9a: {  	s5 =	simm.s32 $_scs_section_size  }
0x9b: {  	s6 =	simm.s32 $_size__tile_overlayer_lowered;
	s7 =	simm.s32 $_tile_overlayer_lowered  }
0x9c: {  	s22 =	simm.s32 $0x1BFF;
	s21 =	sshll.u32 s7, $0x1;
	s4 =	sadd.s32 s5, s19  }
0x9d: {  	s8 =	simm.s32 $0x0;
	s20 =	sshll.u32 s6, $0x1;
	s6 =	sadd.s32 s21, s4  }
0x9e: {  	[timem:s8], [sflag:s22] =	dma.local [hbm:s6], s20  }
0x9f: {  	_ =	swait.ge [sflag:s22], s20  }
0xa0: {  	s5 =	ssub.s32 $0x0, s20;
	[sflag:s22] =	ssyncset.done $0x0  }
0xa1: {  	[sflag:s22] =	ssyncadd.s32 s5;
	_ =	sdelay $0x1  }
0xa2: {  	s23 =	simm.s32 $0x1B8B  }
0xa3: {  	_ =	swait.ge [sflag:s23], $0x1  }
0xa4: {  	[sflag:s23] =	ssyncset.done $0x0  }
0xa5: {  	s25 =	simm.s32 $0x1B8E;
	s24 =	sld [smem:$0x3FFE];
	[sflag:s23] =	ssyncadd.s32 $0xFFFFFFFF  }
0xa6: {  	s26 =	simm.s32 $execute0_lowered;
	[smem:$0x3FD2] =	sst s25  }
0xa7: {  	s6 =	sshll.u32 s26, $0x1;
	_ =	strace $0x80000046;
	[dreg:$0x1] =	wrdreg $0xFFFFFFFF  }
0xa8: {  	s28 =	simm.s32 $_size_execute0_lowered;
	s4 =	sadd.s32 s4, s6;
	[dreg:$0x0] =	wrdreg $0x0  }
0xa9: {  	s6 =	sshll.u32 s28, $0x1;
	[dreg:$0x2] =	wrdreg s4  }
0xaa: {  	[dreg:$0x3] =	wrdreg s6  }
0xab: {  	[dreg:$0x4] =	wrdreg $0xC0  }
0xac: {  	_ =	task [dreg:s8], $0x5FFFF  }
0xad: {  	[dreg:$0x1] =	wrdreg $0xFFFFFFFF  }
0xae: {  	[dreg:$0x0] =	wrdreg $0x60  }
0xaf: {  	[dreg:$0x2] =	wrdreg s24  }
0xb0: {  	[dreg:$0x3] =	wrdreg s2  }
0xb1: {  	[dreg:$0x4] =	wrdreg s18  }
0xb2: {  	[dreg:$0x5] =	wrdreg $0x9  }
0xb3: {  	_ =	task.clear_ibuf [dreg:s8], $0x6FFFF;
	_ =	strace $0x90000046  }
0xb4: {  	s29 =	simm.s32 $0x9;
	_ =	strace $0x80000048  }
0xb5: {  	_ =	swait.ge [sflag:s29], $0x1  }
0xb6: {  	[sflag:s29] =	ssyncadd.s32 $0xFFFFFFFF  }
0xb7: {  	_ =	strace $0x90000048  }
0xb8: {  	_ =	sfence  }
0xb9: {  	s30 =	sld [smem:$0x0];
	_ =	sdelay $0x2  }
0xba: {  	s31 =	sshll.u32 s1, $0xD;
	s1 =	sshrl.u32 s1, $0x2  }
0xbb: {  	s3 =	sand.u32 $0x4000, s31;
	s1 =	sadd.s32 s1, s30  }
0xbc: {  	s0 =	sor.u32 s3, s0;
	s1 =	sshll.u32 s1, $0x11  }
0xbd: {  	s0 =	sor.u32 s1, s0  }
0xbe: {  	s0 =	sadd.s32 $0x8F2B, s0  }
0xbf: {  	[sflag:s0] =	ssyncadd.remote.s32 $0x1  }
0xc0: {  	_ =	sfence.sel $0xFFFF  }
0xc1: {  	[dreg:$0x0] =	wrdreg $0xFFFFFFFF;
	(pc) =	sbr.abs _section_cstart, $3  }
0xc2: {  	[dreg:$0x1] =	wrdreg $0xFFFFFFFF  }
0xc3: {  	_ =	task.clear_ibuf [dreg:s8], $0x2FFFF;
	_ =	strace $0x9FFFFFFF  }
0xc4: {  	(tm) =	ssettm $0x7FFFFFFF  }
0xc5: {  	_ =	shalt  }
tec
execute0_lowered:
.L_overlay_start_1:
0x0: {  	(tag) =	ssettag $0x1  }
0x1: {  	s1 =	srdreg.scid  }
0x2: {  	s3 =	stileid.u32;
	s1 =	sand.u32 $0x1, s1  }
0x3: {  	s0 =	rddreg [dreg:$0x0];
	s5 =	sshll.u32 s3, $0xA;
	s6 =	sshll.u32 s1, $0x9  }
0x4: {  	s2 =	rddreg [dreg:$0x1];
	s6 =	sor.u32 s6, s5  }
0x5: {  	s4 =	rddreg [dreg:$0x2];
	s5 =	sshrl.u32 s6, $0x3  }
0x6: {  	s3 =	simm.s32 $0x0;
	s1 =	ssub.s32 $0x2, s1;
	s8 =	sadd.s32 s5, s0  }
0x7: {  	[smem:$0x7FF] =	sst s3;
	s5 =	sand.u32 $0xE00, s6;
	s12 =	sadd.s32 $0x400, s8  }
0x8: {  	_ =	strace $0x80000047;
	s19 =	sor.u32 $0x12, s5;
	[dreg:$0x4] =	wrdreg s12  }
0x9: {  	s7 =	sshrl.u32 s1, $0x1;
	s20 =	sor.u32 $0x22, s5;
	[dreg:$0x16] =	wrdreg s19  }
0xa: {  	s13 =	ssub.s32 s1, s7;
	s22 =	sor.u32 $0x42, s5;
	[dreg:$0x17] =	wrdreg s20  }
0xb: {  	s6 =	sshll.u32 s6, $0x7;
	s24 =	sor.u32 $0x52, s5;
	[dreg:$0x18] =	wrdreg s22  }
0xc: {  	s7 =	sor.u32 $0x2, s5;
	s14 =	sadd.s32 s4, s6;
	[dreg:$0x1a] =	wrdreg s24  }
0xd: {  	s10 =	sor.u32 $0x32, s5;
	s6 =	sadd.s32 $0x1000, s14;
	[dreg:$0x14] =	wrdreg s14  }
0xe: {  	s16 =	sor.u32 $0x62, s5;
	s21 =	sadd.s32 $0x2000, s14;
	[dreg:$0x5] =	wrdreg s6  }
0xf: {  	s15 =	sor.u32 $0x72, s5;
	s23 =	sadd.s32 $0x3000, s14;
	[dreg:$0x6] =	wrdreg s21  }
0x10: {  	s17 =	sor.u32 $0x82, s5;
	s25 =	sadd.s32 $0x4000, s14;
	[dreg:$0x7] =	wrdreg s23  }
0x11: {  	s18 =	sor.u32 $0xD2, s5;
	s26 =	sadd.s32 $0x5000, s14;
	[dreg:$0x8] =	wrdreg s25  }
0x12: {  	s0 =	sor.u32 $0x152, s5;
	s28 =	sadd.s32 $0x6000, s14;
	[dreg:$0x9] =	wrdreg s26  }
0x13: {  	s29 =	sadd.s32 $0x7000, s14;
	s19 =	sor.u32 $0x92, s5;
	[dreg:$0xa] =	wrdreg s28  }
0x14: {  	s30 =	sadd.s32 $0x8000, s14;
	s20 =	sor.u32 $0xA2, s5;
	[dreg:$0xb] =	wrdreg s29  }
0x15: {  	s31 =	sadd.s32 $0x9000, s14;
	s1 =	sadd.s32 $0xA000, s14;
	[dreg:$0xc] =	wrdreg s30  }
0x16: {  	s22 =	sor.u32 $0xC2, s5;
	s4 =	sadd.s32 $0xB000, s14;
	[dreg:$0xd] =	wrdreg s31  }
0x17: {  	s8 =	sadd.s32 $0xC000, s14;
	s9 =	sadd.s32 $0xD000, s14;
	[dreg:$0xe] =	wrdreg s1  }
0x18: {  	s24 =	sor.u32 $0xF2, s5;
	s11 =	sadd.s32 $0xE000, s14;
	[dreg:$0xf] =	wrdreg s4  }
0x19: {  	s12 =	sadd.s32 $0xF000, s14;
	s14 =	sor.u32 $0x1C2, s5;
	[dreg:$0x10] =	wrdreg s8  }
0x1a: {  	s21 =	sor.u32 $0xB2, s5;
	s23 =	sor.u32 $0xE2, s5;
	[dreg:$0x11] =	wrdreg s9  }
0x1b: {  	s26 =	sor.u32 $0x102, s5;
	[dreg:$0x12] =	wrdreg s11;
	s28 =	sor.u32 $0x112, s5  }
0x1c: {  	v34 =	vlaneseq.u32;
	[dreg:$0x13] =	wrdreg s12;
	s25 =	sor.u32 $0x122, s5;
	s29 =	sor.u32 $0x132, s5  }
0x1d: {  	v33 =	vshrl.u32 v34, $0x3;
	s30 =	sor.u32 $0x142, s5;
	s1 =	sor.u32 $0x162, s5;
	s31 =	sor.u32 $0x172, s5  }
0x1e: {  	vm0 =	vmmov $0xffff;
	v32 =	vand.u32 $0x7, v34;
	v33 =	vmul.u32 $0x8, v33;
	s4 =	sor.u32 $0x182, s5;
	s12 =	sor.u32 $0x192, s5;
	s9 =	sor.u32 $0x1A2, s5  }
0x1f: {  	v0 =	vadd.s32 s7, v34;
	v3 =	vadd.s32 s10, v34;
	v6 =	vadd.s32 s16, v34;
	s11 =	sor.u32 $0x1B2, s5;
	[dreg:$0x1b] =	wrdreg s14;
	s8 =	sor.u32 $0x1D2, s5  }
0x20: {  	v7 =	vadd.s32 s15, v34;
	v8 =	vadd.s32 s17, v34;
	v13 =	vadd.s32 s18, v34;
	s14 =	sor.u32 $0x1E2, s5;
	s5 =	sor.u32 $0x1F2, s5;
	[dreg:$0x1c] =	wrdreg s8  }
0x21: {  	v21 =	vadd.s32 s0, v34;
	v9 =	vadd.s32 s19, v34;
	v10 =	vadd.s32 s20, v34;
	[dreg:$0x19] =	wrdreg s5  }
0x22: {  	v12 =	vadd.s32 s22, v34;
	v15 =	vadd.s32 s24, v34;
	s5 =	smax.u32 s13, $0x1;
	s13 =	rddreg [dreg:$0x16];
	v11 =	vadd.s32 s21, v34  }
0x23: {  	v14 =	vadd.s32 s23, v34;
	v16 =	vadd.s32 s26, v34;
	v19 =	vadd.s32 s29, v34;
	s29 =	rddreg [dreg:$0x1b]  }
0x24: {  	v17 =	vadd.s32 s28, v34;
	v18 =	vadd.s32 s25, v34;
	v1 =	vadd.s32 s13, v34;
	s13 =	rddreg [dreg:$0x17]  }
0x25: {  	v20 =	vadd.s32 s30, v34;
	v22 =	vadd.s32 s1, v34;
	v23 =	vadd.s32 s31, v34;
	s30 =	rddreg [dreg:$0x1c]  }
0x26: {  	s7 =	sadd.s32 $0x200, s2;
	v24 =	vadd.s32 s4, v34;
	v25 =	vadd.s32 s12, v34;
	v26 =	vadd.s32 s9, v34;
	s31 =	rddreg [dreg:$0x19]  }
0x27: {  	s6 =	sadd.s32 $0x100, s2;
	s19 =	simm.s32 $0x2;
	v27 =	vadd.s32 s11, v34;
	v30 =	vadd.s32 s14, v34;
	v2 =	vadd.s32 s13, v34;
	s13 =	rddreg [dreg:$0x18]  }
0x28: {  	s20 =	simm.s32 $0x3;
	s8 =	sadd.s32 $0x300, s2;
	v28 =	vadd.s32 s29, v34;
	v29 =	vadd.s32 s30, v34;
	v4 =	vadd.s32 s13, v34;
	s13 =	rddreg [dreg:$0x1a]  }
0x29: {  	s26 =	simm.s32 $0x1;
	s21 =	simm.s32 $0x4;
	s9 =	simm.s32 $0x8400;
	v31 =	vadd.s32 s31, v34;
	v5 =	vadd.s32 s13, v34;
	v34 =	vor.u32 $0x8, v34  }
.LBB2_1:
0x2a: {  	[dreg:$0x15] =	wrdreg s5  }
0x2b: {  	s22 =	rddreg [dreg:$0x4];
	s30 =	simm.s32 $0x5  }
0x2c: {  	[tilespmem:s3], [sflag:$0x5] =	stream.linear.gather [hbm4b:s22+s3], $0x200, $0x38;
	[tilespmem:$0x10400] =	vst v63  }
0x2d: {  	_ =	swait.ge [sflag:s30], $0x200  }
0x2e: {  	[sflag:s30] =	ssyncset.done $0x0  }
0x2f: {  	[sflag:s30] =	ssyncadd.s32 $0xFFFFFE00  }
0x30: {  	v36 =	vld [tilespmem:$0x10]  }
0x31: {  	v37 =	vld [tilespmem:$0x20]  }
0x32: {  	v38 =	vld [tilespmem:$0x30]  }
0x33: {  	v39 =	vld [tilespmem:$0x40]  }
0x34: {  	v40 =	vld [tilespmem:$0x50]  }
0x35: {  	v48 =	vld [tilespmem:$0x60];
	vm1 =	veq.s32 v36, $0x1  }
0x36: {  	v49 =	vld [tilespmem:$0x70];
	v41 =	vsel vm1, $0x1, v1;
	vm1 =	veq.s32 v37, $0x1  }
0x37: {  	v51 =	vld [tilespmem:$0x80];
	[tilespmem:$0x210] =	vst v41;
	v50 =	vsel vm1, $0x1, v2;
	vm1 =	veq.s32 v38, $0x1  }
0x38: {  	v53 =	vld [tilespmem:$0x90];
	[tilespmem:$0x220] =	vst v50;
	v52 =	vsel vm1, $0x1, v3;
	vm1 =	veq.s32 v39, $0x1  }
0x39: {  	v55 =	vld [tilespmem:$0xA0];
	[tilespmem:$0x230] =	vst v52;
	v54 =	vsel vm1, $0x1, v4;
	vm1 =	veq.s32 v40, $0x1  }
0x3a: {  	v57 =	vld [tilespmem:$0xB0];
	[tilespmem:$0x240] =	vst v54;
	v56 =	vsel vm1, $0x1, v5;
	vm1 =	veq.s32 v48, $0x1  }
0x3b: {  	v59 =	vld [tilespmem:$0xC0];
	[tilespmem:$0x250] =	vst v56;
	v58 =	vsel vm1, $0x1, v6;
	vm1 =	veq.s32 v49, $0x1  }
0x3c: {  	v61 =	vld [tilespmem:$0xD0];
	[tilespmem:$0x260] =	vst v58;
	v60 =	vsel vm1, $0x1, v7;
	vm1 =	veq.s32 v51, $0x1  }
0x3d: {  	v35 =	vld [tilespmem:$0x0];
	[tilespmem:$0x270] =	vst v60;
	v62 =	vsel vm1, $0x1, v8;
	vm1 =	veq.s32 v53, $0x1  }
0x3e: {  	v63 =	vld [tilespmem:$0xE0];
	[tilespmem:$0x280] =	vst v62;
	v44 =	vsel vm1, $0x1, v9;
	vm1 =	veq.s32 v55, $0x1  }
0x3f: {  	v45 =	vld [tilespmem:$0xF0];
	[tilespmem:$0x290] =	vst v44;
	v46 =	vsel vm1, $0x1, v10;
	vm1 =	veq.s32 v57, $0x1  }
0x40: {  	v47 =	vld [tilespmem:$0x100];
	[tilespmem:$0x2A0] =	vst v46;
	v48 =	vsel vm1, $0x1, v11;
	vm1 =	veq.s32 v59, $0x1  }
0x41: {  	v49 =	vld [tilespmem:$0x110];
	[tilespmem:$0x2B0] =	vst v48;
	v50 =	vsel vm1, $0x1, v12;
	vm1 =	veq.s32 v61, $0x1  }
0x42: {  	vm2 =	veq.s32 v35, $0x1;
	v51 =	vld [tilespmem:$0x120];
	[tilespmem:$0x2C0] =	vst v50;
	v52 =	vsel vm1, $0x1, v13  }
0x43: {  	v53 =	vld [tilespmem:$0x130];
	vm1 =	veq.s32 v63, $0x1;
	v50 =	vsel vm2, $0x1, v0;
	[tilespmem:$0x2D0] =	vst v52  }
0x44: {  	v55 =	vld [tilespmem:$0x140];
	v54 =	vsel vm1, $0x1, v14;
	vm1 =	veq.s32 v45, $0x1;
	[tilespmem:$0x200] =	vst v50  }
0x45: {  	v57 =	vld [tilespmem:$0x150];
	[tilespmem:$0x2E0] =	vst v54;
	v56 =	vsel vm1, $0x1, v15;
	vm1 =	veq.s32 v47, $0x1  }
0x46: {  	v59 =	vld [tilespmem:$0x160];
	[tilespmem:$0x2F0] =	vst v56;
	v58 =	vsel vm1, $0x1, v16;
	vm1 =	veq.s32 v49, $0x1  }
0x47: {  	v61 =	vld [tilespmem:$0x170];
	[tilespmem:$0x300] =	vst v58;
	v60 =	vsel vm1, $0x1, v17;
	vm1 =	veq.s32 v51, $0x1  }
0x48: {  	v63 =	vld [tilespmem:$0x180];
	[tilespmem:$0x310] =	vst v60;
	v62 =	vsel vm1, $0x1, v18;
	vm1 =	veq.s32 v53, $0x1  }
0x49: {  	v45 =	vld [tilespmem:$0x190];
	[tilespmem:$0x320] =	vst v62;
	v44 =	vsel vm1, $0x1, v19;
	vm1 =	veq.s32 v55, $0x1  }
0x4a: {  	v47 =	vld [tilespmem:$0x1A0];
	[tilespmem:$0x330] =	vst v44;
	v40 =	vsel vm1, $0x1, v20;
	vm1 =	veq.s32 v57, $0x1  }
0x4b: {  	v49 =	vld [tilespmem:$0x1B0];
	[tilespmem:$0x340] =	vst v40;
	v46 =	vsel vm1, $0x1, v21;
	vm1 =	veq.s32 v59, $0x1  }
0x4c: {  	v52 =	vld [tilespmem:$0x1C0];
	v42 =	vshll.u32 v50, $0x3;
	[tilespmem:$0x350] =	vst v46;
	v48 =	vsel vm1, $0x1, v22;
	vm1 =	veq.s32 v61, $0x1  }
0x4d: {  	v54 =	vld [tilespmem:$0x1D0];
	v42 =	vand.u32 $0x7FFFFFC0, v42;
	[tilespmem:$0x360] =	vst v48;
	v51 =	vsel vm1, $0x1, v23;
	vm1 =	veq.s32 v63, $0x1  }
0x4e: {  	v55 =	vld [tilespmem:$0x1E0];
	v40 =	vand.u32 $0x7, v50;
	[tilespmem:$0x370] =	vst v51;
	v53 =	vsel vm1, $0x1, v24;
	vm1 =	veq.s32 v45, $0x1  }
0x4f: {  	v58 =	vld [tilespmem:$0x1F0];
	v57 =	vor.u32 v40, v42;
	[tilespmem:$0x380] =	vst v53;
	v56 =	vsel vm1, $0x1, v25;
	vm1 =	veq.s32 v47, $0x1  }
0x50: {  	v60 =	vperm.xlane v57, v32;
	[tilespmem:$0x390] =	vst v56;
	v59 =	vsel vm1, $0x1, v26;
	vm1 =	veq.s32 v49, $0x1  }
0x51: {  	[tilespmem:$0x3A0] =	vst v59;
	v61 =	vsel vm1, $0x1, v27;
	vm1 =	veq.s32 v52, $0x1  }
0x52: {  	v38 =	vadd.s32 v33, v60;
	[tilespmem:$0x3B0] =	vst v61;
	v62 =	vsel vm1, $0x1, v28;
	vm1 =	veq.s32 v54, $0x1  }
0x53: {  	[tilespmem:$0x3C0] =	vst v62;
	v63 =	vsel vm1, $0x1, v29;
	vm1 =	veq.s32 v55, $0x1  }
0x54: {  	[tilespmem:$0x3D0] =	vst v63;
	v39 =	vsel vm1, $0x1, v30;
	vm1 =	veq.s32 v58, $0x1  }
0x55: {  	[tilespmem:$0x3E0] =	vst v39;
	v40 =	vsel vm1, $0x1, v31  }
0x56: {  	s1 =	simm.s32 $0x400;
	[tilespmem:$0x3F0] =	vst v40  }
0x57: {  	[tilespmem:s1], [sflag:$0x1] =	stream.indirect_vreg.gather [hbm4b:s2+s3], $0x80, v38, vm0, $0xb8;
	[tilespmem:$0x10400] =	vst v63  }
0x58: {  	s0 =	simm.s32 $0xC00;
	v41 =	vperm.xlane v57, v34  }
0x59: {  	[tilespmem:s0], [sflag:$0x1] =	stream.indirect_vreg.gather [hbm4b:s6+s3], $0x80, v38, vm0, $0xb8;
	[tilespmem:$0x10400] =	vst v63  }
0x5a: {  	s31 =	simm.s32 $0x1400;
	v35 =	vadd.s32 v33, v41  }
0x5b: {  	[tilespmem:s31], [sflag:$0x1] =	stream.indirect_vreg.gather [hbm4b:s7+s3], $0x80, v38, vm0, $0xb8;
	[tilespmem:$0x10400] =	vst v63  }
0x5c: {  	s4 =	simm.s32 $0x1C00  }
0x5d: {  	[tilespmem:s4], [sflag:$0x1] =	stream.indirect_vreg.gather [hbm4b:s8+s3], $0x80, v38, vm0, $0xb8;
	[tilespmem:$0x10400] =	vst v63  }
0x5e: {  	s5 =	simm.s32 $0x2400  }
0x5f: {  	[tilespmem:s5], [sflag:$0x1] =	stream.indirect_vreg.gather [hbm4b:s2+s3], $0x80, v35, vm0, $0xb8;
	[tilespmem:$0x10400] =	vst v63  }
0x60: {  	s11 =	simm.s32 $0x2C00  }
0x61: {  	[tilespmem:s11], [sflag:$0x1] =	stream.indirect_vreg.gather [hbm4b:s6+s3], $0x80, v35, vm0, $0xb8;
	[tilespmem:$0x10400] =	vst v63  }
0x62: {  	s12 =	simm.s32 $0x3400  }
0x63: {  	[tilespmem:s12], [sflag:$0x1] =	stream.indirect_vreg.gather [hbm4b:s7+s3], $0x80, v35, vm0, $0xb8;
	[tilespmem:$0x10400] =	vst v63  }
0x64: {  	s13 =	simm.s32 $0x3C00  }
0x65: {  	[tilespmem:s13], [sflag:$0x1] =	stream.indirect_vreg.gather [hbm4b:s8+s3], $0x80, v35, vm0, $0xb8;
	[tilespmem:$0x10400] =	vst v63  }
0x66: {  	v35 =	vld [tilespmem:$0x210];
	_ =	sdelay $0x4  }
0x67: {  	v42 =	vshll.u32 v35, $0x3  }
0x68: {  	v35 =	vand.u32 $0x7, v35;
	v36 =	vand.u32 $0xFFFFFFC0, v42  }
0x69: {  	v35 =	vor.u32 v35, v36  }
0x6a: {  	v36 =	vperm.xlane v35, v32;
	_ =	sdelay $0x1  }
0x6b: {  	v36 =	vadd.s32 v33, v36;
	_ =	sdelay $0x3  }
0x6c: {  	s14 =	simm.s32 $0x4400  }
0x6d: {  	[tilespmem:s14], [sflag:$0x1] =	stream.indirect_vreg.gather [hbm4b:s2+s3], $0x80, v36, vm0, $0xb8;
	[tilespmem:$0x10400] =	vst v63  }
0x6e: {  	s15 =	simm.s32 $0x4C00;
	v35 =	vperm.xlane v35, v34  }
0x6f: {  	[tilespmem:s15], [sflag:$0x1] =	stream.indirect_vreg.gather [hbm4b:s6+s3], $0x80, v36, vm0, $0xb8;
	[tilespmem:$0x10400] =	vst v63  }
0x70: {  	s16 =	simm.s32 $0x5400;
	v35 =	vadd.s32 v33, v35  }
0x71: {  	[tilespmem:s16], [sflag:$0x1] =	stream.indirect_vreg.gather [hbm4b:s7+s3], $0x80, v36, vm0, $0xb8;
	[tilespmem:$0x10400] =	vst v63  }
0x72: {  	s17 =	simm.s32 $0x5C00  }
0x73: {  	[tilespmem:s17], [sflag:$0x1] =	stream.indirect_vreg.gather [hbm4b:s8+s3], $0x80, v36, vm0, $0xb8;
	[tilespmem:$0x10400] =	vst v63  }
0x74: {  	s18 =	simm.s32 $0x6400  }
0x75: {  	[tilespmem:s18], [sflag:$0x1] =	stream.indirect_vreg.gather [hbm4b:s2+s3], $0x80, v35, vm0, $0xb8;
	[tilespmem:$0x10400] =	vst v63  }
0x76: {  	s22 =	simm.s32 $0x6C00  }
0x77: {  	[tilespmem:s22], [sflag:$0x1] =	stream.indirect_vreg.gather [hbm4b:s6+s3], $0x80, v35, vm0, $0xb8;
	[tilespmem:$0x10400] =	vst v63  }
0x78: {  	s23 =	simm.s32 $0x7400  }
0x79: {  	[tilespmem:s23], [sflag:$0x1] =	stream.indirect_vreg.gather [hbm4b:s7+s3], $0x80, v35, vm0, $0xb8;
	[tilespmem:$0x10400] =	vst v63  }
0x7a: {  	s28 =	simm.s32 $0x7C00  }
0x7b: {  	[tilespmem:s28], [sflag:$0x1] =	stream.indirect_vreg.gather [hbm4b:s8+s3], $0x80, v35, vm0, $0xb8;
	[tilespmem:$0x10400] =	vst v63  }
0x7c: {  	_ =	swait.ge [sflag:s26], $0x8000  }
0x7d: {  	[sflag:s26] =	ssyncset.done $0x0  }
0x7e: {  	s4 =	rddreg [dreg:$0x14];
	[sflag:s26] =	ssyncadd.s32 $0xFFFF8000  }
0x7f: {  	[hbm4b:s4+s3] =	stream.linear.scatter [tilespmem:s1], [sflag:$0x3], $0x8000, $0x38;
	[tilespmem:$0x10400] =	vst v63  }
0x80: {  	v43 =	vld [tilespmem:$0x220];
	_ =	sdelay $0x4  }
0x81: {  	v44 =	vshll.u32 v43, $0x3  }
0x82: {  	v35 =	vand.u32 $0x7, v43;
	v36 =	vand.u32 $0xFFFFFFC0, v44  }
0x83: {  	v35 =	vor.u32 v35, v36  }
0x84: {  	v36 =	vperm.xlane v35, v32;
	_ =	sdelay $0x1  }
0x85: {  	v36 =	vadd.s32 v33, v36;
	_ =	sdelay $0x4  }
0x86: {  	[tilespmem:s9], [sflag:$0x2] =	stream.indirect_vreg.gather [hbm4b:s2+s3], $0x80, v36, vm0, $0xb8;
	[tilespmem:$0x10400] =	vst v63  }
0x87: {  	s5 =	simm.s32 $0x8C00;
	v35 =	vperm.xlane v35, v34  }
0x88: {  	[tilespmem:s5], [sflag:$0x2] =	stream.indirect_vreg.gather [hbm4b:s6+s3], $0x80, v36, vm0, $0xb8;
	[tilespmem:$0x10400] =	vst v63  }
0x89: {  	s11 =	simm.s32 $0x9400;
	v35 =	vadd.s32 v33, v35  }
0x8a: {  	[tilespmem:s11], [sflag:$0x2] =	stream.indirect_vreg.gather [hbm4b:s7+s3], $0x80, v36, vm0, $0xb8;
	[tilespmem:$0x10400] =	vst v63  }
0x8b: {  	s12 =	simm.s32 $0x9C00  }
0x8c: {  	[tilespmem:s12], [sflag:$0x2] =	stream.indirect_vreg.gather [hbm4b:s8+s3], $0x80, v36, vm0, $0xb8;
	[tilespmem:$0x10400] =	vst v63  }
0x8d: {  	s13 =	simm.s32 $0xA400  }
0x8e: {  	[tilespmem:s13], [sflag:$0x2] =	stream.indirect_vreg.gather [hbm4b:s2+s3], $0x80, v35, vm0, $0xb8;
	[tilespmem:$0x10400] =	vst v63  }
0x8f: {  	s15 =	simm.s32 $0xAC00  }
0x90: {  	[tilespmem:s15], [sflag:$0x2] =	stream.indirect_vreg.gather [hbm4b:s6+s3], $0x80, v35, vm0, $0xb8;
	[tilespmem:$0x10400] =	vst v63  }
0x91: {  	s16 =	simm.s32 $0xB400  }
0x92: {  	[tilespmem:s16], [sflag:$0x2] =	stream.indirect_vreg.gather [hbm4b:s7+s3], $0x80, v35, vm0, $0xb8;
	[tilespmem:$0x10400] =	vst v63  }
0x93: {  	s17 =	simm.s32 $0xBC00  }
0x94: {  	[tilespmem:s17], [sflag:$0x2] =	stream.indirect_vreg.gather [hbm4b:s8+s3], $0x80, v35, vm0, $0xb8;
	[tilespmem:$0x10400] =	vst v63  }
0x95: {  	v35 =	vld [tilespmem:$0x230];
	_ =	sdelay $0x4  }
0x96: {  	v45 =	vshll.u32 v35, $0x3  }
0x97: {  	v35 =	vand.u32 $0x7, v35;
	v36 =	vand.u32 $0xFFFFFFC0, v45  }
0x98: {  	v35 =	vor.u32 v35, v36  }
0x99: {  	v36 =	vperm.xlane v35, v32;
	_ =	sdelay $0x1  }
0x9a: {  	v36 =	vadd.s32 v33, v36;
	_ =	sdelay $0x3  }
0x9b: {  	s18 =	simm.s32 $0xC400  }
0x9c: {  	[tilespmem:s18], [sflag:$0x2] =	stream.indirect_vreg.gather [hbm4b:s2+s3], $0x80, v36, vm0, $0xb8;
	[tilespmem:$0x10400] =	vst v63  }
0x9d: {  	s23 =	simm.s32 $0xCC00;
	v35 =	vperm.xlane v35, v34  }
0x9e: {  	[tilespmem:s23], [sflag:$0x2] =	stream.indirect_vreg.gather [hbm4b:s6+s3], $0x80, v36, vm0, $0xb8;
	[tilespmem:$0x10400] =	vst v63  }
0x9f: {  	s28 =	simm.s32 $0xD400;
	v35 =	vadd.s32 v33, v35  }
0xa0: {  	[tilespmem:s28], [sflag:$0x2] =	stream.indirect_vreg.gather [hbm4b:s7+s3], $0x80, v36, vm0, $0xb8;
	[tilespmem:$0x10400] =	vst v63  }
0xa1: {  	s0 =	simm.s32 $0xDC00  }
0xa2: {  	[tilespmem:s0], [sflag:$0x2] =	stream.indirect_vreg.gather [hbm4b:s8+s3], $0x80, v36, vm0, $0xb8;
	[tilespmem:$0x10400] =	vst v63  }
0xa3: {  	s4 =	simm.s32 $0xE400  }
0xa4: {  	[tilespmem:s4], [sflag:$0x2] =	stream.indirect_vreg.gather [hbm4b:s2+s3], $0x80, v35, vm0, $0xb8;
	[tilespmem:$0x10400] =	vst v63  }
0xa5: {  	s23 =	simm.s32 $0xEC00  }
0xa6: {  	[tilespmem:s23], [sflag:$0x2] =	stream.indirect_vreg.gather [hbm4b:s6+s3], $0x80, v35, vm0, $0xb8;
	[tilespmem:$0x10400] =	vst v63  }
0xa7: {  	s28 =	simm.s32 $0xF400  }
0xa8: {  	[tilespmem:s28], [sflag:$0x2] =	stream.indirect_vreg.gather [hbm4b:s7+s3], $0x80, v35, vm0, $0xb8;
	[tilespmem:$0x10400] =	vst v63  }
0xa9: {  	s0 =	simm.s32 $0xFC00  }
0xaa: {  	[tilespmem:s0], [sflag:$0x2] =	stream.indirect_vreg.gather [hbm4b:s8+s3], $0x80, v35, vm0, $0xb8;
	[tilespmem:$0x10400] =	vst v63  }
0xab: {  	_ =	swait.ge [sflag:s19], $0x8000  }
0xac: {  	[sflag:s19] =	ssyncset.done $0x0  }
0xad: {  	s4 =	rddreg [dreg:$0x5];
	[sflag:s19] =	ssyncadd.s32 $0xFFFF8000  }
0xae: {  	[hbm4b:s4+s3] =	stream.linear.scatter [tilespmem:s9], [sflag:$0x4], $0x8000, $0x38;
	[tilespmem:$0x10400] =	vst v63  }
0xaf: {  	_ =	swait.ge [sflag:s20], $0x8000  }
0xb0: {  	[sflag:s20] =	ssyncset.done $0x0  }
0xb1: {  	[sflag:s20] =	ssyncadd.s32 $0xFFFF8000  }
0xb2: {  	v46 =	vld [tilespmem:$0x240];
	_ =	sdelay $0x4  }
0xb3: {  	v47 =	vshll.u32 v46, $0x3  }
0xb4: {  	v35 =	vand.u32 $0x7, v46;
	v36 =	vand.u32 $0xFFFFFFC0, v47  }
0xb5: {  	v35 =	vor.u32 v35, v36  }
0xb6: {  	v36 =	vperm.xlane v35, v32;
	_ =	sdelay $0x1  }
0xb7: {  	v36 =	vadd.s32 v33, v36;
	_ =	sdelay $0x4  }
0xb8: {  	[tilespmem:s1], [sflag:$0x1] =	stream.indirect_vreg.gather [hbm4b:s2+s3], $0x80, v36, vm0, $0xb8;
	[tilespmem:$0x10400] =	vst v63  }
0xb9: {  	s24 =	simm.s32 $0xC00;
	v35 =	vperm.xlane v35, v34  }
0xba: {  	[tilespmem:s24], [sflag:$0x1] =	stream.indirect_vreg.gather [hbm4b:s6+s3], $0x80, v36, vm0, $0xb8;
	[tilespmem:$0x10400] =	vst v63  }
0xbb: {  	v35 =	vadd.s32 v33, v35;
	s24 =	simm.s32 $0x1400  }
0xbc: {  	[tilespmem:s24], [sflag:$0x1] =	stream.indirect_vreg.gather [hbm4b:s7+s3], $0x80, v36, vm0, $0xb8;
	[tilespmem:$0x10400] =	vst v63  }
0xbd: {  	s10 =	simm.s32 $0x1C00  }
0xbe: {  	[tilespmem:s10], [sflag:$0x1] =	stream.indirect_vreg.gather [hbm4b:s8+s3], $0x80, v36, vm0, $0xb8;
	[tilespmem:$0x10400] =	vst v63  }
0xbf: {  	s25 =	simm.s32 $0x2400  }
0xc0: {  	[tilespmem:s25], [sflag:$0x1] =	stream.indirect_vreg.gather [hbm4b:s2+s3], $0x80, v35, vm0, $0xb8;
	[tilespmem:$0x10400] =	vst v63  }
0xc1: {  	s29 =	simm.s32 $0x2C00  }
0xc2: {  	[tilespmem:s29], [sflag:$0x1] =	stream.indirect_vreg.gather [hbm4b:s6+s3], $0x80, v35, vm0, $0xb8;
	[tilespmem:$0x10400] =	vst v63  }
0xc3: {  	s30 =	simm.s32 $0x3400  }
0xc4: {  	[tilespmem:s30], [sflag:$0x1] =	stream.indirect_vreg.gather [hbm4b:s7+s3], $0x80, v35, vm0, $0xb8;
	[tilespmem:$0x10400] =	vst v63  }
0xc5: {  	s31 =	simm.s32 $0x3C00  }
0xc6: {  	[tilespmem:s31], [sflag:$0x1] =	stream.indirect_vreg.gather [hbm4b:s8+s3], $0x80, v35, vm0, $0xb8;
	[tilespmem:$0x10400] =	vst v63  }
0xc7: {  	v35 =	vld [tilespmem:$0x250];
	_ =	sdelay $0x4  }
0xc8: {  	v48 =	vshll.u32 v35, $0x3  }
0xc9: {  	v35 =	vand.u32 $0x7, v35;
	v36 =	vand.u32 $0xFFFFFFC0, v48  }
0xca: {  	v35 =	vor.u32 v35, v36  }
0xcb: {  	v36 =	vperm.xlane v35, v32;
	_ =	sdelay $0x1  }
0xcc: {  	v36 =	vadd.s32 v33, v36;
	_ =	sdelay $0x3  }
0xcd: {  	s0 =	simm.s32 $0x4400  }
0xce: {  	[tilespmem:s0], [sflag:$0x1] =	stream.indirect_vreg.gather [hbm4b:s2+s3], $0x80, v36, vm0, $0xb8;
	[tilespmem:$0x10400] =	vst v63  }
0xcf: {  	s28 =	simm.s32 $0x4C00;
	v35 =	vperm.xlane v35, v34  }
0xd0: {  	[tilespmem:s28], [sflag:$0x1] =	stream.indirect_vreg.gather [hbm4b:s6+s3], $0x80, v36, vm0, $0xb8;
	[tilespmem:$0x10400] =	vst v63  }
0xd1: {  	s25 =	simm.s32 $0x5400;
	v35 =	vadd.s32 v33, v35  }
0xd2: {  	[tilespmem:s25], [sflag:$0x1] =	stream.indirect_vreg.gather [hbm4b:s7+s3], $0x80, v36, vm0, $0xb8;
	[tilespmem:$0x10400] =	vst v63  }
0xd3: {  	s29 =	simm.s32 $0x5C00  }
0xd4: {  	[tilespmem:s29], [sflag:$0x1] =	stream.indirect_vreg.gather [hbm4b:s8+s3], $0x80, v36, vm0, $0xb8;
	[tilespmem:$0x10400] =	vst v63  }
0xd5: {  	s30 =	simm.s32 $0x6400  }
0xd6: {  	[tilespmem:s30], [sflag:$0x1] =	stream.indirect_vreg.gather [hbm4b:s2+s3], $0x80, v35, vm0, $0xb8;
	[tilespmem:$0x10400] =	vst v63  }
0xd7: {  	s31 =	simm.s32 $0x6C00  }
0xd8: {  	[tilespmem:s31], [sflag:$0x1] =	stream.indirect_vreg.gather [hbm4b:s6+s3], $0x80, v35, vm0, $0xb8;
	[tilespmem:$0x10400] =	vst v63  }
0xd9: {  	s10 =	simm.s32 $0x7400  }
0xda: {  	[tilespmem:s10], [sflag:$0x1] =	stream.indirect_vreg.gather [hbm4b:s7+s3], $0x80, v35, vm0, $0xb8;
	[tilespmem:$0x10400] =	vst v63  }
0xdb: {  	s4 =	simm.s32 $0x7C00  }
0xdc: {  	[tilespmem:s4], [sflag:$0x1] =	stream.indirect_vreg.gather [hbm4b:s8+s3], $0x80, v35, vm0, $0xb8;
	[tilespmem:$0x10400] =	vst v63  }
0xdd: {  	_ =	swait.ge [sflag:s26], $0x8000  }
0xde: {  	[sflag:s26] =	ssyncset.done $0x0  }
0xdf: {  	s22 =	rddreg [dreg:$0x6];
	[sflag:s26] =	ssyncadd.s32 $0xFFFF8000  }
0xe0: {  	[hbm4b:s22+s3] =	stream.linear.scatter [tilespmem:s1], [sflag:$0x3], $0x8000, $0x38;
	[tilespmem:$0x10400] =	vst v63  }
0xe1: {  	_ =	swait.ge [sflag:s21], $0x8000  }
0xe2: {  	[sflag:s21] =	ssyncset.done $0x0  }
0xe3: {  	[sflag:s21] =	ssyncadd.s32 $0xFFFF8000  }
0xe4: {  	v49 =	vld [tilespmem:$0x260];
	_ =	sdelay $0x4  }
0xe5: {  	v50 =	vshll.u32 v49, $0x3  }
0xe6: {  	v35 =	vand.u32 $0x7, v49;
	v36 =	vand.u32 $0xFFFFFFC0, v50  }
0xe7: {  	v35 =	vor.u32 v35, v36  }
0xe8: {  	v36 =	vperm.xlane v35, v32;
	_ =	sdelay $0x1  }
0xe9: {  	v36 =	vadd.s32 v33, v36;
	_ =	sdelay $0x4  }
0xea: {  	[tilespmem:s9], [sflag:$0x2] =	stream.indirect_vreg.gather [hbm4b:s2+s3], $0x80, v36, vm0, $0xb8;
	[tilespmem:$0x10400] =	vst v63  }
0xeb: {  	s14 =	simm.s32 $0x8C00;
	v35 =	vperm.xlane v35, v34  }
0xec: {  	[tilespmem:s14], [sflag:$0x2] =	stream.indirect_vreg.gather [hbm4b:s6+s3], $0x80, v36, vm0, $0xb8;
	[tilespmem:$0x10400] =	vst v63  }
0xed: {  	v35 =	vadd.s32 v33, v35;
	s14 =	simm.s32 $0x9400  }
0xee: {  	[tilespmem:s14], [sflag:$0x2] =	stream.indirect_vreg.gather [hbm4b:s7+s3], $0x80, v36, vm0, $0xb8;
	[tilespmem:$0x10400] =	vst v63  }
0xef: {  	s5 =	simm.s32 $0x9C00  }
0xf0: {  	[tilespmem:s5], [sflag:$0x2] =	stream.indirect_vreg.gather [hbm4b:s8+s3], $0x80, v36, vm0, $0xb8;
	[tilespmem:$0x10400] =	vst v63  }
0xf1: {  	s11 =	simm.s32 $0xA400  }
0xf2: {  	[tilespmem:s11], [sflag:$0x2] =	stream.indirect_vreg.gather [hbm4b:s2+s3], $0x80, v35, vm0, $0xb8;
	[tilespmem:$0x10400] =	vst v63  }
0xf3: {  	s12 =	simm.s32 $0xAC00  }
0xf4: {  	[tilespmem:s12], [sflag:$0x2] =	stream.indirect_vreg.gather [hbm4b:s6+s3], $0x80, v35, vm0, $0xb8;
	[tilespmem:$0x10400] =	vst v63  }
0xf5: {  	s13 =	simm.s32 $0xB400  }
0xf6: {  	[tilespmem:s13], [sflag:$0x2] =	stream.indirect_vreg.gather [hbm4b:s7+s3], $0x80, v35, vm0, $0xb8;
	[tilespmem:$0x10400] =	vst v63  }
0xf7: {  	s16 =	simm.s32 $0xBC00  }
0xf8: {  	[tilespmem:s16], [sflag:$0x2] =	stream.indirect_vreg.gather [hbm4b:s8+s3], $0x80, v35, vm0, $0xb8;
	[tilespmem:$0x10400] =	vst v63  }
0xf9: {  	v35 =	vld [tilespmem:$0x270];
	_ =	sdelay $0x4  }
0xfa: {  	v51 =	vshll.u32 v35, $0x3  }
0xfb: {  	v35 =	vand.u32 $0x7, v35;
	v36 =	vand.u32 $0xFFFFFFC0, v51  }
0xfc: {  	v35 =	vor.u32 v35, v36  }
0xfd: {  	v36 =	vperm.xlane v35, v32;
	_ =	sdelay $0x1  }
0xfe: {  	v36 =	vadd.s32 v33, v36;
	_ =	sdelay $0x3  }
0xff: {  	s17 =	simm.s32 $0xC400  }
0x100: {  	[tilespmem:s17], [sflag:$0x2] =	stream.indirect_vreg.gather [hbm4b:s2+s3], $0x80, v36, vm0, $0xb8;
	[tilespmem:$0x10400] =	vst v63  }
0x101: {  	s18 =	simm.s32 $0xCC00;
	v35 =	vperm.xlane v35, v34  }
0x102: {  	[tilespmem:s18], [sflag:$0x2] =	stream.indirect_vreg.gather [hbm4b:s6+s3], $0x80, v36, vm0, $0xb8;
	[tilespmem:$0x10400] =	vst v63  }
0x103: {  	s15 =	simm.s32 $0xD400;
	v35 =	vadd.s32 v33, v35  }
0x104: {  	[tilespmem:s15], [sflag:$0x2] =	stream.indirect_vreg.gather [hbm4b:s7+s3], $0x80, v36, vm0, $0xb8;
	[tilespmem:$0x10400] =	vst v63  }
0x105: {  	s15 =	simm.s32 $0xDC00  }
0x106: {  	[tilespmem:s15], [sflag:$0x2] =	stream.indirect_vreg.gather [hbm4b:s8+s3], $0x80, v36, vm0, $0xb8;
	[tilespmem:$0x10400] =	vst v63  }
0x107: {  	s16 =	simm.s32 $0xE400  }
0x108: {  	[tilespmem:s16], [sflag:$0x2] =	stream.indirect_vreg.gather [hbm4b:s2+s3], $0x80, v35, vm0, $0xb8;
	[tilespmem:$0x10400] =	vst v63  }
0x109: {  	s17 =	simm.s32 $0xEC00  }
0x10a: {  	[tilespmem:s17], [sflag:$0x2] =	stream.indirect_vreg.gather [hbm4b:s6+s3], $0x80, v35, vm0, $0xb8;
	[tilespmem:$0x10400] =	vst v63  }
0x10b: {  	s22 =	simm.s32 $0xF400  }
0x10c: {  	[tilespmem:s22], [sflag:$0x2] =	stream.indirect_vreg.gather [hbm4b:s7+s3], $0x80, v35, vm0, $0xb8;
	[tilespmem:$0x10400] =	vst v63  }
0x10d: {  	s23 =	simm.s32 $0xFC00  }
0x10e: {  	[tilespmem:s23], [sflag:$0x2] =	stream.indirect_vreg.gather [hbm4b:s8+s3], $0x80, v35, vm0, $0xb8;
	[tilespmem:$0x10400] =	vst v63  }
0x10f: {  	_ =	swait.ge [sflag:s19], $0x8000  }
0x110: {  	[sflag:s19] =	ssyncset.done $0x0  }
0x111: {  	s22 =	rddreg [dreg:$0x7];
	[sflag:s19] =	ssyncadd.s32 $0xFFFF8000  }
0x112: {  	[hbm4b:s22+s3] =	stream.linear.scatter [tilespmem:s9], [sflag:$0x4], $0x8000, $0x38;
	[tilespmem:$0x10400] =	vst v63  }
0x113: {  	_ =	swait.ge [sflag:s20], $0x8000  }
0x114: {  	[sflag:s20] =	ssyncset.done $0x0  }
0x115: {  	[sflag:s20] =	ssyncadd.s32 $0xFFFF8000  }
0x116: {  	v52 =	vld [tilespmem:$0x280];
	_ =	sdelay $0x4  }
0x117: {  	v53 =	vshll.u32 v52, $0x3  }
0x118: {  	v35 =	vand.u32 $0x7, v52;
	v36 =	vand.u32 $0xFFFFFFC0, v53  }
0x119: {  	v35 =	vor.u32 v35, v36  }
0x11a: {  	v36 =	vperm.xlane v35, v32;
	_ =	sdelay $0x1  }
0x11b: {  	v36 =	vadd.s32 v33, v36;
	_ =	sdelay $0x4  }
0x11c: {  	[tilespmem:s1], [sflag:$0x1] =	stream.indirect_vreg.gather [hbm4b:s2+s3], $0x80, v36, vm0, $0xb8;
	[tilespmem:$0x10400] =	vst v63  }
0x11d: {  	s22 =	simm.s32 $0xC00;
	v35 =	vperm.xlane v35, v34  }
0x11e: {  	[tilespmem:s22], [sflag:$0x1] =	stream.indirect_vreg.gather [hbm4b:s6+s3], $0x80, v36, vm0, $0xb8;
	[tilespmem:$0x10400] =	vst v63  }
0x11f: {  	v35 =	vadd.s32 v33, v35  }
0x120: {  	[tilespmem:s24], [sflag:$0x1] =	stream.indirect_vreg.gather [hbm4b:s7+s3], $0x80, v36, vm0, $0xb8;
	[tilespmem:$0x10400] =	vst v63  }
0x121: {  	s22 =	simm.s32 $0x1C00  }
0x122: {  	[tilespmem:s22], [sflag:$0x1] =	stream.indirect_vreg.gather [hbm4b:s8+s3], $0x80, v36, vm0, $0xb8;
	[tilespmem:$0x10400] =	vst v63  }
0x123: {  	s22 =	simm.s32 $0x2400  }
0x124: {  	[tilespmem:s22], [sflag:$0x1] =	stream.indirect_vreg.gather [hbm4b:s2+s3], $0x80, v35, vm0, $0xb8;
	[tilespmem:$0x10400] =	vst v63  }
0x125: {  	s22 =	simm.s32 $0x2C00  }
0x126: {  	[tilespmem:s22], [sflag:$0x1] =	stream.indirect_vreg.gather [hbm4b:s6+s3], $0x80, v35, vm0, $0xb8;
	[tilespmem:$0x10400] =	vst v63  }
0x127: {  	s22 =	simm.s32 $0x3400  }
0x128: {  	[tilespmem:s22], [sflag:$0x1] =	stream.indirect_vreg.gather [hbm4b:s7+s3], $0x80, v35, vm0, $0xb8;
	[tilespmem:$0x10400] =	vst v63  }
0x129: {  	s22 =	simm.s32 $0x3C00  }
0x12a: {  	[tilespmem:s22], [sflag:$0x1] =	stream.indirect_vreg.gather [hbm4b:s8+s3], $0x80, v35, vm0, $0xb8;
	[tilespmem:$0x10400] =	vst v63  }
0x12b: {  	v35 =	vld [tilespmem:$0x290];
	_ =	sdelay $0x4  }
0x12c: {  	v54 =	vshll.u32 v35, $0x3  }
0x12d: {  	v35 =	vand.u32 $0x7, v35;
	v36 =	vand.u32 $0xFFFFFFC0, v54  }
0x12e: {  	v35 =	vor.u32 v35, v36  }
0x12f: {  	v36 =	vperm.xlane v35, v32;
	_ =	sdelay $0x1  }
0x130: {  	v36 =	vadd.s32 v33, v36;
	_ =	sdelay $0x4  }
0x131: {  	[tilespmem:s0], [sflag:$0x1] =	stream.indirect_vreg.gather [hbm4b:s2+s3], $0x80, v36, vm0, $0xb8;
	[tilespmem:$0x10400] =	vst v63  }
0x132: {  	v35 =	vperm.xlane v35, v34  }
0x133: {  	[tilespmem:s28], [sflag:$0x1] =	stream.indirect_vreg.gather [hbm4b:s6+s3], $0x80, v36, vm0, $0xb8;
	[tilespmem:$0x10400] =	vst v63  }
0x134: {  	v35 =	vadd.s32 v33, v35  }
0x135: {  	[tilespmem:s25], [sflag:$0x1] =	stream.indirect_vreg.gather [hbm4b:s7+s3], $0x80, v36, vm0, $0xb8;
	[tilespmem:$0x10400] =	vst v63  }
0x136: {  	_ = 	snop  }
0x137: {  	[tilespmem:s29], [sflag:$0x1] =	stream.indirect_vreg.gather [hbm4b:s8+s3], $0x80, v36, vm0, $0xb8;
	[tilespmem:$0x10400] =	vst v63  }
0x138: {  	_ = 	snop  }
0x139: {  	[tilespmem:s30], [sflag:$0x1] =	stream.indirect_vreg.gather [hbm4b:s2+s3], $0x80, v35, vm0, $0xb8;
	[tilespmem:$0x10400] =	vst v63  }
0x13a: {  	_ = 	snop  }
0x13b: {  	[tilespmem:s31], [sflag:$0x1] =	stream.indirect_vreg.gather [hbm4b:s6+s3], $0x80, v35, vm0, $0xb8;
	[tilespmem:$0x10400] =	vst v63  }
0x13c: {  	_ = 	snop  }
0x13d: {  	[tilespmem:s10], [sflag:$0x1] =	stream.indirect_vreg.gather [hbm4b:s7+s3], $0x80, v35, vm0, $0xb8;
	[tilespmem:$0x10400] =	vst v63  }
0x13e: {  	_ = 	snop  }
0x13f: {  	[tilespmem:s4], [sflag:$0x1] =	stream.indirect_vreg.gather [hbm4b:s8+s3], $0x80, v35, vm0, $0xb8;
	[tilespmem:$0x10400] =	vst v63  }
0x140: {  	_ =	swait.ge [sflag:s26], $0x8000  }
0x141: {  	[sflag:s26] =	ssyncset.done $0x0  }
0x142: {  	s10 =	rddreg [dreg:$0x8];
	[sflag:s26] =	ssyncadd.s32 $0xFFFF8000  }
0x143: {  	[hbm4b:s10+s3] =	stream.linear.scatter [tilespmem:s1], [sflag:$0x3], $0x8000, $0x38;
	[tilespmem:$0x10400] =	vst v63  }
0x144: {  	_ =	swait.ge [sflag:s21], $0x8000  }
0x145: {  	[sflag:s21] =	ssyncset.done $0x0  }
0x146: {  	[sflag:s21] =	ssyncadd.s32 $0xFFFF8000  }
0x147: {  	v55 =	vld [tilespmem:$0x2A0];
	_ =	sdelay $0x4  }
0x148: {  	v56 =	vshll.u32 v55, $0x3  }
0x149: {  	v35 =	vand.u32 $0x7, v55;
	v36 =	vand.u32 $0xFFFFFFC0, v56  }
0x14a: {  	v35 =	vor.u32 v35, v36  }
0x14b: {  	v36 =	vperm.xlane v35, v32;
	_ =	sdelay $0x1  }
0x14c: {  	v36 =	vadd.s32 v33, v36;
	_ =	sdelay $0x4  }
0x14d: {  	[tilespmem:s9], [sflag:$0x2] =	stream.indirect_vreg.gather [hbm4b:s2+s3], $0x80, v36, vm0, $0xb8;
	[tilespmem:$0x10400] =	vst v63  }
0x14e: {  	s22 =	simm.s32 $0x8C00;
	v35 =	vperm.xlane v35, v34  }
0x14f: {  	[tilespmem:s22], [sflag:$0x2] =	stream.indirect_vreg.gather [hbm4b:s6+s3], $0x80, v36, vm0, $0xb8;
	[tilespmem:$0x10400] =	vst v63  }
0x150: {  	v35 =	vadd.s32 v33, v35  }
0x151: {  	[tilespmem:s14], [sflag:$0x2] =	stream.indirect_vreg.gather [hbm4b:s7+s3], $0x80, v36, vm0, $0xb8;
	[tilespmem:$0x10400] =	vst v63  }
0x152: {  	s29 =	simm.s32 $0x9C00  }
0x153: {  	[tilespmem:s29], [sflag:$0x2] =	stream.indirect_vreg.gather [hbm4b:s8+s3], $0x80, v36, vm0, $0xb8;
	[tilespmem:$0x10400] =	vst v63  }
0x154: {  	s5 =	simm.s32 $0xA400  }
0x155: {  	[tilespmem:s5], [sflag:$0x2] =	stream.indirect_vreg.gather [hbm4b:s2+s3], $0x80, v35, vm0, $0xb8;
	[tilespmem:$0x10400] =	vst v63  }
0x156: {  	s10 =	simm.s32 $0xAC00  }
0x157: {  	[tilespmem:s10], [sflag:$0x2] =	stream.indirect_vreg.gather [hbm4b:s6+s3], $0x80, v35, vm0, $0xb8;
	[tilespmem:$0x10400] =	vst v63  }
0x158: {  	s11 =	simm.s32 $0xB400  }
0x159: {  	[tilespmem:s11], [sflag:$0x2] =	stream.indirect_vreg.gather [hbm4b:s7+s3], $0x80, v35, vm0, $0xb8;
	[tilespmem:$0x10400] =	vst v63  }
0x15a: {  	s22 =	simm.s32 $0xBC00  }
0x15b: {  	[tilespmem:s22], [sflag:$0x2] =	stream.indirect_vreg.gather [hbm4b:s8+s3], $0x80, v35, vm0, $0xb8;
	[tilespmem:$0x10400] =	vst v63  }
0x15c: {  	v35 =	vld [tilespmem:$0x2B0];
	_ =	sdelay $0x4  }
0x15d: {  	v57 =	vshll.u32 v35, $0x3  }
0x15e: {  	v35 =	vand.u32 $0x7, v35;
	v36 =	vand.u32 $0xFFFFFFC0, v57  }
0x15f: {  	v35 =	vor.u32 v35, v36  }
0x160: {  	v36 =	vperm.xlane v35, v32;
	_ =	sdelay $0x1  }
0x161: {  	v36 =	vadd.s32 v33, v36;
	_ =	sdelay $0x3  }
0x162: {  	s22 =	simm.s32 $0xC400  }
0x163: {  	[tilespmem:s22], [sflag:$0x2] =	stream.indirect_vreg.gather [hbm4b:s2+s3], $0x80, v36, vm0, $0xb8;
	[tilespmem:$0x10400] =	vst v63  }
0x164: {  	s18 =	simm.s32 $0xCC00;
	v35 =	vperm.xlane v35, v34  }
0x165: {  	[tilespmem:s18], [sflag:$0x2] =	stream.indirect_vreg.gather [hbm4b:s6+s3], $0x80, v36, vm0, $0xb8;
	[tilespmem:$0x10400] =	vst v63  }
0x166: {  	s12 =	simm.s32 $0xD400;
	v35 =	vadd.s32 v33, v35  }
0x167: {  	[tilespmem:s12], [sflag:$0x2] =	stream.indirect_vreg.gather [hbm4b:s7+s3], $0x80, v36, vm0, $0xb8;
	[tilespmem:$0x10400] =	vst v63  }
0x168: {  	s13 =	simm.s32 $0xDC00  }
0x169: {  	[tilespmem:s13], [sflag:$0x2] =	stream.indirect_vreg.gather [hbm4b:s8+s3], $0x80, v36, vm0, $0xb8;
	[tilespmem:$0x10400] =	vst v63  }
0x16a: {  	s15 =	simm.s32 $0xE400  }
0x16b: {  	[tilespmem:s15], [sflag:$0x2] =	stream.indirect_vreg.gather [hbm4b:s2+s3], $0x80, v35, vm0, $0xb8;
	[tilespmem:$0x10400] =	vst v63  }
0x16c: {  	s16 =	simm.s32 $0xEC00  }
0x16d: {  	[tilespmem:s16], [sflag:$0x2] =	stream.indirect_vreg.gather [hbm4b:s6+s3], $0x80, v35, vm0, $0xb8;
	[tilespmem:$0x10400] =	vst v63  }
0x16e: {  	s17 =	simm.s32 $0xF400  }
0x16f: {  	[tilespmem:s17], [sflag:$0x2] =	stream.indirect_vreg.gather [hbm4b:s7+s3], $0x80, v35, vm0, $0xb8;
	[tilespmem:$0x10400] =	vst v63  }
0x170: {  	s23 =	simm.s32 $0xFC00  }
0x171: {  	[tilespmem:s23], [sflag:$0x2] =	stream.indirect_vreg.gather [hbm4b:s8+s3], $0x80, v35, vm0, $0xb8;
	[tilespmem:$0x10400] =	vst v63  }
0x172: {  	_ =	swait.ge [sflag:s19], $0x8000  }
0x173: {  	[sflag:s19] =	ssyncset.done $0x0  }
0x174: {  	s23 =	rddreg [dreg:$0x9];
	[sflag:s19] =	ssyncadd.s32 $0xFFFF8000  }
0x175: {  	[hbm4b:s23+s3] =	stream.linear.scatter [tilespmem:s9], [sflag:$0x4], $0x8000, $0x38;
	[tilespmem:$0x10400] =	vst v63  }
0x176: {  	_ =	swait.ge [sflag:s20], $0x8000  }
0x177: {  	[sflag:s20] =	ssyncset.done $0x0  }
0x178: {  	[sflag:s20] =	ssyncadd.s32 $0xFFFF8000  }
0x179: {  	v58 =	vld [tilespmem:$0x2C0];
	_ =	sdelay $0x4  }
0x17a: {  	v59 =	vshll.u32 v58, $0x3  }
0x17b: {  	v35 =	vand.u32 $0x7, v58;
	v36 =	vand.u32 $0xFFFFFFC0, v59  }
0x17c: {  	v35 =	vor.u32 v35, v36  }
0x17d: {  	v36 =	vperm.xlane v35, v32;
	_ =	sdelay $0x1  }
0x17e: {  	v36 =	vadd.s32 v33, v36;
	_ =	sdelay $0x4  }
0x17f: {  	[tilespmem:s1], [sflag:$0x1] =	stream.indirect_vreg.gather [hbm4b:s2+s3], $0x80, v36, vm0, $0xb8;
	[tilespmem:$0x10400] =	vst v63  }
0x180: {  	s23 =	simm.s32 $0xC00;
	v35 =	vperm.xlane v35, v34  }
0x181: {  	[tilespmem:s23], [sflag:$0x1] =	stream.indirect_vreg.gather [hbm4b:s6+s3], $0x80, v36, vm0, $0xb8;
	[tilespmem:$0x10400] =	vst v63  }
0x182: {  	s24 =	simm.s32 $0x1400;
	v35 =	vadd.s32 v33, v35  }
0x183: {  	[tilespmem:s24], [sflag:$0x1] =	stream.indirect_vreg.gather [hbm4b:s7+s3], $0x80, v36, vm0, $0xb8;
	[tilespmem:$0x10400] =	vst v63  }
0x184: {  	s24 =	simm.s32 $0x1C00  }
0x185: {  	[tilespmem:s24], [sflag:$0x1] =	stream.indirect_vreg.gather [hbm4b:s8+s3], $0x80, v36, vm0, $0xb8;
	[tilespmem:$0x10400] =	vst v63  }
0x186: {  	s24 =	simm.s32 $0x2400  }
0x187: {  	[tilespmem:s24], [sflag:$0x1] =	stream.indirect_vreg.gather [hbm4b:s2+s3], $0x80, v35, vm0, $0xb8;
	[tilespmem:$0x10400] =	vst v63  }
0x188: {  	s24 =	simm.s32 $0x2C00  }
0x189: {  	[tilespmem:s24], [sflag:$0x1] =	stream.indirect_vreg.gather [hbm4b:s6+s3], $0x80, v35, vm0, $0xb8;
	[tilespmem:$0x10400] =	vst v63  }
0x18a: {  	s24 =	simm.s32 $0x3400  }
0x18b: {  	[tilespmem:s24], [sflag:$0x1] =	stream.indirect_vreg.gather [hbm4b:s7+s3], $0x80, v35, vm0, $0xb8;
	[tilespmem:$0x10400] =	vst v63  }
0x18c: {  	s24 =	simm.s32 $0x3C00  }
0x18d: {  	[tilespmem:s24], [sflag:$0x1] =	stream.indirect_vreg.gather [hbm4b:s8+s3], $0x80, v35, vm0, $0xb8;
	[tilespmem:$0x10400] =	vst v63  }
0x18e: {  	v35 =	vld [tilespmem:$0x2D0];
	_ =	sdelay $0x4  }
0x18f: {  	v60 =	vshll.u32 v35, $0x3  }
0x190: {  	v35 =	vand.u32 $0x7, v35;
	v36 =	vand.u32 $0xFFFFFFC0, v60  }
0x191: {  	v35 =	vor.u32 v35, v36  }
0x192: {  	v36 =	vperm.xlane v35, v32;
	_ =	sdelay $0x1  }
0x193: {  	v36 =	vadd.s32 v33, v36;
	_ =	sdelay $0x3  }
0x194: {  	s24 =	simm.s32 $0x4400  }
0x195: {  	[tilespmem:s24], [sflag:$0x1] =	stream.indirect_vreg.gather [hbm4b:s2+s3], $0x80, v36, vm0, $0xb8;
	[tilespmem:$0x10400] =	vst v63  }
0x196: {  	v35 =	vperm.xlane v35, v34;
	s24 =	simm.s32 $0x4C00  }
0x197: {  	[tilespmem:s24], [sflag:$0x1] =	stream.indirect_vreg.gather [hbm4b:s6+s3], $0x80, v36, vm0, $0xb8;
	[tilespmem:$0x10400] =	vst v63  }
0x198: {  	s0 =	simm.s32 $0x5400;
	v35 =	vadd.s32 v33, v35  }
0x199: {  	[tilespmem:s0], [sflag:$0x1] =	stream.indirect_vreg.gather [hbm4b:s7+s3], $0x80, v36, vm0, $0xb8;
	[tilespmem:$0x10400] =	vst v63  }
0x19a: {  	s28 =	simm.s32 $0x5C00  }
0x19b: {  	[tilespmem:s28], [sflag:$0x1] =	stream.indirect_vreg.gather [hbm4b:s8+s3], $0x80, v36, vm0, $0xb8;
	[tilespmem:$0x10400] =	vst v63  }
0x19c: {  	s30 =	simm.s32 $0x6400  }
0x19d: {  	[tilespmem:s30], [sflag:$0x1] =	stream.indirect_vreg.gather [hbm4b:s2+s3], $0x80, v35, vm0, $0xb8;
	[tilespmem:$0x10400] =	vst v63  }
0x19e: {  	s31 =	simm.s32 $0x6C00  }
0x19f: {  	[tilespmem:s31], [sflag:$0x1] =	stream.indirect_vreg.gather [hbm4b:s6+s3], $0x80, v35, vm0, $0xb8;
	[tilespmem:$0x10400] =	vst v63  }
0x1a0: {  	s30 =	simm.s32 $0x7400  }
0x1a1: {  	[tilespmem:s30], [sflag:$0x1] =	stream.indirect_vreg.gather [hbm4b:s7+s3], $0x80, v35, vm0, $0xb8;
	[tilespmem:$0x10400] =	vst v63  }
0x1a2: {  	s25 =	simm.s32 $0x7C00  }
0x1a3: {  	[tilespmem:s25], [sflag:$0x1] =	stream.indirect_vreg.gather [hbm4b:s8+s3], $0x80, v35, vm0, $0xb8;
	[tilespmem:$0x10400] =	vst v63  }
0x1a4: {  	_ =	swait.ge [sflag:s26], $0x8000  }
0x1a5: {  	[sflag:s26] =	ssyncset.done $0x0  }
0x1a6: {  	s25 =	rddreg [dreg:$0xa];
	[sflag:s26] =	ssyncadd.s32 $0xFFFF8000  }
0x1a7: {  	[hbm4b:s25+s3] =	stream.linear.scatter [tilespmem:s1], [sflag:$0x3], $0x8000, $0x38;
	[tilespmem:$0x10400] =	vst v63  }
0x1a8: {  	_ =	swait.ge [sflag:s21], $0x8000  }
0x1a9: {  	[sflag:s21] =	ssyncset.done $0x0  }
0x1aa: {  	[sflag:s21] =	ssyncadd.s32 $0xFFFF8000  }
0x1ab: {  	v61 =	vld [tilespmem:$0x2E0];
	_ =	sdelay $0x4  }
0x1ac: {  	v62 =	vshll.u32 v61, $0x3  }
0x1ad: {  	v35 =	vand.u32 $0x7, v61;
	v36 =	vand.u32 $0xFFFFFFC0, v62  }
0x1ae: {  	v35 =	vor.u32 v35, v36  }
0x1af: {  	v36 =	vperm.xlane v35, v32;
	_ =	sdelay $0x1  }
0x1b0: {  	v36 =	vadd.s32 v33, v36;
	_ =	sdelay $0x4  }
0x1b1: {  	[tilespmem:s9], [sflag:$0x2] =	stream.indirect_vreg.gather [hbm4b:s2+s3], $0x80, v36, vm0, $0xb8;
	[tilespmem:$0x10400] =	vst v63  }
0x1b2: {  	s30 =	simm.s32 $0x8C00;
	v35 =	vperm.xlane v35, v34  }
0x1b3: {  	[tilespmem:s30], [sflag:$0x2] =	stream.indirect_vreg.gather [hbm4b:s6+s3], $0x80, v36, vm0, $0xb8;
	[tilespmem:$0x10400] =	vst v63  }
0x1b4: {  	s14 =	simm.s32 $0x9400;
	v35 =	vadd.s32 v33, v35  }
0x1b5: {  	[tilespmem:s14], [sflag:$0x2] =	stream.indirect_vreg.gather [hbm4b:s7+s3], $0x80, v36, vm0, $0xb8;
	[tilespmem:$0x10400] =	vst v63  }
0x1b6: {  	s29 =	simm.s32 $0x9C00  }
0x1b7: {  	[tilespmem:s29], [sflag:$0x2] =	stream.indirect_vreg.gather [hbm4b:s8+s3], $0x80, v36, vm0, $0xb8;
	[tilespmem:$0x10400] =	vst v63  }
0x1b8: {  	s5 =	simm.s32 $0xA400  }
0x1b9: {  	[tilespmem:s5], [sflag:$0x2] =	stream.indirect_vreg.gather [hbm4b:s2+s3], $0x80, v35, vm0, $0xb8;
	[tilespmem:$0x10400] =	vst v63  }
0x1ba: {  	s10 =	simm.s32 $0xAC00  }
0x1bb: {  	[tilespmem:s10], [sflag:$0x2] =	stream.indirect_vreg.gather [hbm4b:s6+s3], $0x80, v35, vm0, $0xb8;
	[tilespmem:$0x10400] =	vst v63  }
0x1bc: {  	s4 =	simm.s32 $0xB400  }
0x1bd: {  	[tilespmem:s4], [sflag:$0x2] =	stream.indirect_vreg.gather [hbm4b:s7+s3], $0x80, v35, vm0, $0xb8;
	[tilespmem:$0x10400] =	vst v63  }
0x1be: {  	s25 =	simm.s32 $0xBC00  }
0x1bf: {  	[tilespmem:s25], [sflag:$0x2] =	stream.indirect_vreg.gather [hbm4b:s8+s3], $0x80, v35, vm0, $0xb8;
	[tilespmem:$0x10400] =	vst v63  }
0x1c0: {  	v35 =	vld [tilespmem:$0x2F0];
	_ =	sdelay $0x4  }
0x1c1: {  	v63 =	vshll.u32 v35, $0x3  }
0x1c2: {  	v35 =	vand.u32 $0x7, v35;
	v36 =	vand.u32 $0xFFFFFFC0, v63  }
0x1c3: {  	v35 =	vor.u32 v35, v36  }
0x1c4: {  	v36 =	vperm.xlane v35, v32;
	_ =	sdelay $0x1  }
0x1c5: {  	v36 =	vadd.s32 v33, v36;
	_ =	sdelay $0x3  }
0x1c6: {  	s29 =	simm.s32 $0xC400  }
0x1c7: {  	[tilespmem:s29], [sflag:$0x2] =	stream.indirect_vreg.gather [hbm4b:s2+s3], $0x80, v36, vm0, $0xb8;
	[tilespmem:$0x10400] =	vst v63  }
0x1c8: {  	s18 =	simm.s32 $0xCC00;
	v35 =	vperm.xlane v35, v34  }
0x1c9: {  	[tilespmem:s18], [sflag:$0x2] =	stream.indirect_vreg.gather [hbm4b:s6+s3], $0x80, v36, vm0, $0xb8;
	[tilespmem:$0x10400] =	vst v63  }
0x1ca: {  	s11 =	simm.s32 $0xD400;
	v35 =	vadd.s32 v33, v35  }
0x1cb: {  	[tilespmem:s11], [sflag:$0x2] =	stream.indirect_vreg.gather [hbm4b:s7+s3], $0x80, v36, vm0, $0xb8;
	[tilespmem:$0x10400] =	vst v63  }
0x1cc: {  	s12 =	simm.s32 $0xDC00  }
0x1cd: {  	[tilespmem:s12], [sflag:$0x2] =	stream.indirect_vreg.gather [hbm4b:s8+s3], $0x80, v36, vm0, $0xb8;
	[tilespmem:$0x10400] =	vst v63  }
0x1ce: {  	s13 =	simm.s32 $0xE400  }
0x1cf: {  	[tilespmem:s13], [sflag:$0x2] =	stream.indirect_vreg.gather [hbm4b:s2+s3], $0x80, v35, vm0, $0xb8;
	[tilespmem:$0x10400] =	vst v63  }
0x1d0: {  	s15 =	simm.s32 $0xEC00  }
0x1d1: {  	[tilespmem:s15], [sflag:$0x2] =	stream.indirect_vreg.gather [hbm4b:s6+s3], $0x80, v35, vm0, $0xb8;
	[tilespmem:$0x10400] =	vst v63  }
0x1d2: {  	s16 =	simm.s32 $0xF400  }
0x1d3: {  	[tilespmem:s16], [sflag:$0x2] =	stream.indirect_vreg.gather [hbm4b:s7+s3], $0x80, v35, vm0, $0xb8;
	[tilespmem:$0x10400] =	vst v63  }
0x1d4: {  	s17 =	simm.s32 $0xFC00  }
0x1d5: {  	[tilespmem:s17], [sflag:$0x2] =	stream.indirect_vreg.gather [hbm4b:s8+s3], $0x80, v35, vm0, $0xb8;
	[tilespmem:$0x10400] =	vst v63  }
0x1d6: {  	_ =	swait.ge [sflag:s19], $0x8000  }
0x1d7: {  	[sflag:s19] =	ssyncset.done $0x0  }
0x1d8: {  	s22 =	rddreg [dreg:$0xb];
	[sflag:s19] =	ssyncadd.s32 $0xFFFF8000  }
0x1d9: {  	[hbm4b:s22+s3] =	stream.linear.scatter [tilespmem:s9], [sflag:$0x4], $0x8000, $0x38;
	[tilespmem:$0x10400] =	vst v63  }
0x1da: {  	_ =	swait.ge [sflag:s20], $0x8000  }
0x1db: {  	[sflag:s20] =	ssyncset.done $0x0  }
0x1dc: {  	[sflag:s20] =	ssyncadd.s32 $0xFFFF8000  }
0x1dd: {  	v40 =	vld [tilespmem:$0x300];
	_ =	sdelay $0x4  }
0x1de: {  	v41 =	vshll.u32 v40, $0x3  }
0x1df: {  	v35 =	vand.u32 $0x7, v40;
	v36 =	vand.u32 $0xFFFFFFC0, v41  }
0x1e0: {  	v35 =	vor.u32 v35, v36  }
0x1e1: {  	v36 =	vperm.xlane v35, v32;
	_ =	sdelay $0x1  }
0x1e2: {  	v36 =	vadd.s32 v33, v36;
	_ =	sdelay $0x4  }
0x1e3: {  	[tilespmem:s1], [sflag:$0x1] =	stream.indirect_vreg.gather [hbm4b:s2+s3], $0x80, v36, vm0, $0xb8;
	[tilespmem:$0x10400] =	vst v63  }
0x1e4: {  	s22 =	simm.s32 $0xC00;
	v35 =	vperm.xlane v35, v34  }
0x1e5: {  	[tilespmem:s22], [sflag:$0x1] =	stream.indirect_vreg.gather [hbm4b:s6+s3], $0x80, v36, vm0, $0xb8;
	[tilespmem:$0x10400] =	vst v63  }
0x1e6: {  	s23 =	simm.s32 $0x1400;
	v35 =	vadd.s32 v33, v35  }
0x1e7: {  	[tilespmem:s23], [sflag:$0x1] =	stream.indirect_vreg.gather [hbm4b:s7+s3], $0x80, v36, vm0, $0xb8;
	[tilespmem:$0x10400] =	vst v63  }
0x1e8: {  	s22 =	simm.s32 $0x1C00  }
0x1e9: {  	[tilespmem:s22], [sflag:$0x1] =	stream.indirect_vreg.gather [hbm4b:s8+s3], $0x80, v36, vm0, $0xb8;
	[tilespmem:$0x10400] =	vst v63  }
0x1ea: {  	s22 =	simm.s32 $0x2400  }
0x1eb: {  	[tilespmem:s22], [sflag:$0x1] =	stream.indirect_vreg.gather [hbm4b:s2+s3], $0x80, v35, vm0, $0xb8;
	[tilespmem:$0x10400] =	vst v63  }
0x1ec: {  	s22 =	simm.s32 $0x2C00  }
0x1ed: {  	[tilespmem:s22], [sflag:$0x1] =	stream.indirect_vreg.gather [hbm4b:s6+s3], $0x80, v35, vm0, $0xb8;
	[tilespmem:$0x10400] =	vst v63  }
0x1ee: {  	s22 =	simm.s32 $0x3400  }
0x1ef: {  	[tilespmem:s22], [sflag:$0x1] =	stream.indirect_vreg.gather [hbm4b:s7+s3], $0x80, v35, vm0, $0xb8;
	[tilespmem:$0x10400] =	vst v63  }
0x1f0: {  	s22 =	simm.s32 $0x3C00  }
0x1f1: {  	[tilespmem:s22], [sflag:$0x1] =	stream.indirect_vreg.gather [hbm4b:s8+s3], $0x80, v35, vm0, $0xb8;
	[tilespmem:$0x10400] =	vst v63  }
0x1f2: {  	v35 =	vld [tilespmem:$0x310];
	_ =	sdelay $0x4  }
0x1f3: {  	v42 =	vshll.u32 v35, $0x3  }
0x1f4: {  	v35 =	vand.u32 $0x7, v35;
	v36 =	vand.u32 $0xFFFFFFC0, v42  }
0x1f5: {  	v35 =	vor.u32 v35, v36  }
0x1f6: {  	v36 =	vperm.xlane v35, v32;
	_ =	sdelay $0x1  }
0x1f7: {  	v36 =	vadd.s32 v33, v36;
	_ =	sdelay $0x3  }
0x1f8: {  	s22 =	simm.s32 $0x4400  }
0x1f9: {  	[tilespmem:s22], [sflag:$0x1] =	stream.indirect_vreg.gather [hbm4b:s2+s3], $0x80, v36, vm0, $0xb8;
	[tilespmem:$0x10400] =	vst v63  }
0x1fa: {  	s24 =	simm.s32 $0x4C00;
	v35 =	vperm.xlane v35, v34  }
0x1fb: {  	[tilespmem:s24], [sflag:$0x1] =	stream.indirect_vreg.gather [hbm4b:s6+s3], $0x80, v36, vm0, $0xb8;
	[tilespmem:$0x10400] =	vst v63  }
0x1fc: {  	s0 =	simm.s32 $0x5400;
	v35 =	vadd.s32 v33, v35  }
0x1fd: {  	[tilespmem:s0], [sflag:$0x1] =	stream.indirect_vreg.gather [hbm4b:s7+s3], $0x80, v36, vm0, $0xb8;
	[tilespmem:$0x10400] =	vst v63  }
0x1fe: {  	s22 =	simm.s32 $0x5C00  }
0x1ff: {  	[tilespmem:s22], [sflag:$0x1] =	stream.indirect_vreg.gather [hbm4b:s8+s3], $0x80, v36, vm0, $0xb8;
	[tilespmem:$0x10400] =	vst v63  }
0x200: {  	s22 =	simm.s32 $0x6400  }
0x201: {  	[tilespmem:s22], [sflag:$0x1] =	stream.indirect_vreg.gather [hbm4b:s2+s3], $0x80, v35, vm0, $0xb8;
	[tilespmem:$0x10400] =	vst v63  }
0x202: {  	s31 =	simm.s32 $0x6C00  }
0x203: {  	[tilespmem:s31], [sflag:$0x1] =	stream.indirect_vreg.gather [hbm4b:s6+s3], $0x80, v35, vm0, $0xb8;
	[tilespmem:$0x10400] =	vst v63  }
0x204: {  	s31 =	simm.s32 $0x7400  }
0x205: {  	[tilespmem:s31], [sflag:$0x1] =	stream.indirect_vreg.gather [hbm4b:s7+s3], $0x80, v35, vm0, $0xb8;
	[tilespmem:$0x10400] =	vst v63  }
0x206: {  	s28 =	simm.s32 $0x7C00  }
0x207: {  	[tilespmem:s28], [sflag:$0x1] =	stream.indirect_vreg.gather [hbm4b:s8+s3], $0x80, v35, vm0, $0xb8;
	[tilespmem:$0x10400] =	vst v63  }
0x208: {  	_ =	swait.ge [sflag:s26], $0x8000  }
0x209: {  	[sflag:s26] =	ssyncset.done $0x0  }
0x20a: {  	s31 =	rddreg [dreg:$0xc];
	[sflag:s26] =	ssyncadd.s32 $0xFFFF8000  }
0x20b: {  	[hbm4b:s31+s3] =	stream.linear.scatter [tilespmem:s1], [sflag:$0x3], $0x8000, $0x38;
	[tilespmem:$0x10400] =	vst v63  }
0x20c: {  	_ =	swait.ge [sflag:s21], $0x8000  }
0x20d: {  	[sflag:s21] =	ssyncset.done $0x0  }
0x20e: {  	[sflag:s21] =	ssyncadd.s32 $0xFFFF8000  }
0x20f: {  	v43 =	vld [tilespmem:$0x320];
	_ =	sdelay $0x4  }
0x210: {  	v44 =	vshll.u32 v43, $0x3  }
0x211: {  	v35 =	vand.u32 $0x7, v43;
	v36 =	vand.u32 $0xFFFFFFC0, v44  }
0x212: {  	v35 =	vor.u32 v35, v36  }
0x213: {  	v36 =	vperm.xlane v35, v32;
	_ =	sdelay $0x1  }
0x214: {  	v36 =	vadd.s32 v33, v36;
	_ =	sdelay $0x4  }
0x215: {  	[tilespmem:s9], [sflag:$0x2] =	stream.indirect_vreg.gather [hbm4b:s2+s3], $0x80, v36, vm0, $0xb8;
	[tilespmem:$0x10400] =	vst v63  }
0x216: {  	s31 =	simm.s32 $0x8C00;
	v35 =	vperm.xlane v35, v34  }
0x217: {  	[tilespmem:s31], [sflag:$0x2] =	stream.indirect_vreg.gather [hbm4b:s6+s3], $0x80, v36, vm0, $0xb8;
	[tilespmem:$0x10400] =	vst v63  }
0x218: {  	s14 =	simm.s32 $0x9400;
	v35 =	vadd.s32 v33, v35  }
0x219: {  	[tilespmem:s14], [sflag:$0x2] =	stream.indirect_vreg.gather [hbm4b:s7+s3], $0x80, v36, vm0, $0xb8;
	[tilespmem:$0x10400] =	vst v63  }
0x21a: {  	s30 =	simm.s32 $0x9C00  }
0x21b: {  	[tilespmem:s30], [sflag:$0x2] =	stream.indirect_vreg.gather [hbm4b:s8+s3], $0x80, v36, vm0, $0xb8;
	[tilespmem:$0x10400] =	vst v63  }
0x21c: {  	s5 =	simm.s32 $0xA400  }
0x21d: {  	[tilespmem:s5], [sflag:$0x2] =	stream.indirect_vreg.gather [hbm4b:s2+s3], $0x80, v35, vm0, $0xb8;
	[tilespmem:$0x10400] =	vst v63  }
0x21e: {  	s10 =	simm.s32 $0xAC00  }
0x21f: {  	[tilespmem:s10], [sflag:$0x2] =	stream.indirect_vreg.gather [hbm4b:s6+s3], $0x80, v35, vm0, $0xb8;
	[tilespmem:$0x10400] =	vst v63  }
0x220: {  	s4 =	simm.s32 $0xB400  }
0x221: {  	[tilespmem:s4], [sflag:$0x2] =	stream.indirect_vreg.gather [hbm4b:s7+s3], $0x80, v35, vm0, $0xb8;
	[tilespmem:$0x10400] =	vst v63  }
0x222: {  	s25 =	simm.s32 $0xBC00  }
0x223: {  	[tilespmem:s25], [sflag:$0x2] =	stream.indirect_vreg.gather [hbm4b:s8+s3], $0x80, v35, vm0, $0xb8;
	[tilespmem:$0x10400] =	vst v63  }
0x224: {  	v35 =	vld [tilespmem:$0x330];
	_ =	sdelay $0x4  }
0x225: {  	v45 =	vshll.u32 v35, $0x3  }
0x226: {  	v35 =	vand.u32 $0x7, v35;
	v36 =	vand.u32 $0xFFFFFFC0, v45  }
0x227: {  	v35 =	vor.u32 v35, v36  }
0x228: {  	v36 =	vperm.xlane v35, v32;
	_ =	sdelay $0x1  }
0x229: {  	v36 =	vadd.s32 v33, v36;
	_ =	sdelay $0x3  }
0x22a: {  	s29 =	simm.s32 $0xC400  }
0x22b: {  	[tilespmem:s29], [sflag:$0x2] =	stream.indirect_vreg.gather [hbm4b:s2+s3], $0x80, v36, vm0, $0xb8;
	[tilespmem:$0x10400] =	vst v63  }
0x22c: {  	s18 =	simm.s32 $0xCC00;
	v35 =	vperm.xlane v35, v34  }
0x22d: {  	[tilespmem:s18], [sflag:$0x2] =	stream.indirect_vreg.gather [hbm4b:s6+s3], $0x80, v36, vm0, $0xb8;
	[tilespmem:$0x10400] =	vst v63  }
0x22e: {  	s11 =	simm.s32 $0xD400;
	v35 =	vadd.s32 v33, v35  }
0x22f: {  	[tilespmem:s11], [sflag:$0x2] =	stream.indirect_vreg.gather [hbm4b:s7+s3], $0x80, v36, vm0, $0xb8;
	[tilespmem:$0x10400] =	vst v63  }
0x230: {  	s12 =	simm.s32 $0xDC00  }
0x231: {  	[tilespmem:s12], [sflag:$0x2] =	stream.indirect_vreg.gather [hbm4b:s8+s3], $0x80, v36, vm0, $0xb8;
	[tilespmem:$0x10400] =	vst v63  }
0x232: {  	s13 =	simm.s32 $0xE400  }
0x233: {  	[tilespmem:s13], [sflag:$0x2] =	stream.indirect_vreg.gather [hbm4b:s2+s3], $0x80, v35, vm0, $0xb8;
	[tilespmem:$0x10400] =	vst v63  }
0x234: {  	s15 =	simm.s32 $0xEC00  }
0x235: {  	[tilespmem:s15], [sflag:$0x2] =	stream.indirect_vreg.gather [hbm4b:s6+s3], $0x80, v35, vm0, $0xb8;
	[tilespmem:$0x10400] =	vst v63  }
0x236: {  	s16 =	simm.s32 $0xF400  }
0x237: {  	[tilespmem:s16], [sflag:$0x2] =	stream.indirect_vreg.gather [hbm4b:s7+s3], $0x80, v35, vm0, $0xb8;
	[tilespmem:$0x10400] =	vst v63  }
0x238: {  	s17 =	simm.s32 $0xFC00  }
0x239: {  	[tilespmem:s17], [sflag:$0x2] =	stream.indirect_vreg.gather [hbm4b:s8+s3], $0x80, v35, vm0, $0xb8;
	[tilespmem:$0x10400] =	vst v63  }
0x23a: {  	_ =	swait.ge [sflag:s19], $0x8000  }
0x23b: {  	[sflag:s19] =	ssyncset.done $0x0  }
0x23c: {  	s17 =	rddreg [dreg:$0xd];
	[sflag:s19] =	ssyncadd.s32 $0xFFFF8000  }
0x23d: {  	[hbm4b:s17+s3] =	stream.linear.scatter [tilespmem:s9], [sflag:$0x4], $0x8000, $0x38;
	[tilespmem:$0x10400] =	vst v63  }
0x23e: {  	_ =	swait.ge [sflag:s20], $0x8000  }
0x23f: {  	[sflag:s20] =	ssyncset.done $0x0  }
0x240: {  	[sflag:s20] =	ssyncadd.s32 $0xFFFF8000  }
0x241: {  	v46 =	vld [tilespmem:$0x340];
	_ =	sdelay $0x4  }
0x242: {  	v47 =	vshll.u32 v46, $0x3  }
0x243: {  	v35 =	vand.u32 $0x7, v46;
	v36 =	vand.u32 $0xFFFFFFC0, v47  }
0x244: {  	v35 =	vor.u32 v35, v36  }
0x245: {  	v36 =	vperm.xlane v35, v32;
	_ =	sdelay $0x1  }
0x246: {  	v36 =	vadd.s32 v33, v36;
	_ =	sdelay $0x4  }
0x247: {  	[tilespmem:s1], [sflag:$0x1] =	stream.indirect_vreg.gather [hbm4b:s2+s3], $0x80, v36, vm0, $0xb8;
	[tilespmem:$0x10400] =	vst v63  }
0x248: {  	s22 =	simm.s32 $0xC00;
	v35 =	vperm.xlane v35, v34  }
0x249: {  	[tilespmem:s22], [sflag:$0x1] =	stream.indirect_vreg.gather [hbm4b:s6+s3], $0x80, v36, vm0, $0xb8;
	[tilespmem:$0x10400] =	vst v63  }
0x24a: {  	s23 =	simm.s32 $0x1400;
	v35 =	vadd.s32 v33, v35  }
0x24b: {  	[tilespmem:s23], [sflag:$0x1] =	stream.indirect_vreg.gather [hbm4b:s7+s3], $0x80, v36, vm0, $0xb8;
	[tilespmem:$0x10400] =	vst v63  }
0x24c: {  	s23 =	simm.s32 $0x1C00  }
0x24d: {  	[tilespmem:s23], [sflag:$0x1] =	stream.indirect_vreg.gather [hbm4b:s8+s3], $0x80, v36, vm0, $0xb8;
	[tilespmem:$0x10400] =	vst v63  }
0x24e: {  	s23 =	simm.s32 $0x2400  }
0x24f: {  	[tilespmem:s23], [sflag:$0x1] =	stream.indirect_vreg.gather [hbm4b:s2+s3], $0x80, v35, vm0, $0xb8;
	[tilespmem:$0x10400] =	vst v63  }
0x250: {  	s23 =	simm.s32 $0x2C00  }
0x251: {  	[tilespmem:s23], [sflag:$0x1] =	stream.indirect_vreg.gather [hbm4b:s6+s3], $0x80, v35, vm0, $0xb8;
	[tilespmem:$0x10400] =	vst v63  }
0x252: {  	s23 =	simm.s32 $0x3400  }
0x253: {  	[tilespmem:s23], [sflag:$0x1] =	stream.indirect_vreg.gather [hbm4b:s7+s3], $0x80, v35, vm0, $0xb8;
	[tilespmem:$0x10400] =	vst v63  }
0x254: {  	s23 =	simm.s32 $0x3C00  }
0x255: {  	[tilespmem:s23], [sflag:$0x1] =	stream.indirect_vreg.gather [hbm4b:s8+s3], $0x80, v35, vm0, $0xb8;
	[tilespmem:$0x10400] =	vst v63  }
0x256: {  	v35 =	vld [tilespmem:$0x350];
	_ =	sdelay $0x4  }
0x257: {  	v48 =	vshll.u32 v35, $0x3  }
0x258: {  	v35 =	vand.u32 $0x7, v35;
	v36 =	vand.u32 $0xFFFFFFC0, v48  }
0x259: {  	v35 =	vor.u32 v35, v36  }
0x25a: {  	v36 =	vperm.xlane v35, v32;
	_ =	sdelay $0x1  }
0x25b: {  	v36 =	vadd.s32 v33, v36;
	_ =	sdelay $0x3  }
0x25c: {  	s23 =	simm.s32 $0x4400  }
0x25d: {  	[tilespmem:s23], [sflag:$0x1] =	stream.indirect_vreg.gather [hbm4b:s2+s3], $0x80, v36, vm0, $0xb8;
	[tilespmem:$0x10400] =	vst v63  }
0x25e: {  	s24 =	simm.s32 $0x4C00;
	v35 =	vperm.xlane v35, v34  }
0x25f: {  	[tilespmem:s24], [sflag:$0x1] =	stream.indirect_vreg.gather [hbm4b:s6+s3], $0x80, v36, vm0, $0xb8;
	[tilespmem:$0x10400] =	vst v63  }
0x260: {  	s0 =	simm.s32 $0x5400;
	v35 =	vadd.s32 v33, v35  }
0x261: {  	[tilespmem:s0], [sflag:$0x1] =	stream.indirect_vreg.gather [hbm4b:s7+s3], $0x80, v36, vm0, $0xb8;
	[tilespmem:$0x10400] =	vst v63  }
0x262: {  	s22 =	simm.s32 $0x5C00  }
0x263: {  	[tilespmem:s22], [sflag:$0x1] =	stream.indirect_vreg.gather [hbm4b:s8+s3], $0x80, v36, vm0, $0xb8;
	[tilespmem:$0x10400] =	vst v63  }
0x264: {  	s22 =	simm.s32 $0x6400  }
0x265: {  	[tilespmem:s22], [sflag:$0x1] =	stream.indirect_vreg.gather [hbm4b:s2+s3], $0x80, v35, vm0, $0xb8;
	[tilespmem:$0x10400] =	vst v63  }
0x266: {  	s22 =	simm.s32 $0x6C00  }
0x267: {  	[tilespmem:s22], [sflag:$0x1] =	stream.indirect_vreg.gather [hbm4b:s6+s3], $0x80, v35, vm0, $0xb8;
	[tilespmem:$0x10400] =	vst v63  }
0x268: {  	s22 =	simm.s32 $0x7400  }
0x269: {  	[tilespmem:s22], [sflag:$0x1] =	stream.indirect_vreg.gather [hbm4b:s7+s3], $0x80, v35, vm0, $0xb8;
	[tilespmem:$0x10400] =	vst v63  }
0x26a: {  	s28 =	simm.s32 $0x7C00  }
0x26b: {  	[tilespmem:s28], [sflag:$0x1] =	stream.indirect_vreg.gather [hbm4b:s8+s3], $0x80, v35, vm0, $0xb8;
	[tilespmem:$0x10400] =	vst v63  }
0x26c: {  	_ =	swait.ge [sflag:s26], $0x8000  }
0x26d: {  	[sflag:s26] =	ssyncset.done $0x0  }
0x26e: {  	s22 =	rddreg [dreg:$0xe];
	[sflag:s26] =	ssyncadd.s32 $0xFFFF8000  }
0x26f: {  	[hbm4b:s22+s3] =	stream.linear.scatter [tilespmem:s1], [sflag:$0x3], $0x8000, $0x38;
	[tilespmem:$0x10400] =	vst v63  }
0x270: {  	_ =	swait.ge [sflag:s21], $0x8000  }
0x271: {  	[sflag:s21] =	ssyncset.done $0x0  }
0x272: {  	[sflag:s21] =	ssyncadd.s32 $0xFFFF8000  }
0x273: {  	v49 =	vld [tilespmem:$0x360];
	_ =	sdelay $0x4  }
0x274: {  	v50 =	vshll.u32 v49, $0x3  }
0x275: {  	v35 =	vand.u32 $0x7, v49;
	v36 =	vand.u32 $0xFFFFFFC0, v50  }
0x276: {  	v35 =	vor.u32 v35, v36  }
0x277: {  	v36 =	vperm.xlane v35, v32;
	_ =	sdelay $0x1  }
0x278: {  	v36 =	vadd.s32 v33, v36;
	_ =	sdelay $0x4  }
0x279: {  	[tilespmem:s9], [sflag:$0x2] =	stream.indirect_vreg.gather [hbm4b:s2+s3], $0x80, v36, vm0, $0xb8;
	[tilespmem:$0x10400] =	vst v63  }
0x27a: {  	s22 =	simm.s32 $0x8C00;
	v35 =	vperm.xlane v35, v34  }
0x27b: {  	[tilespmem:s22], [sflag:$0x2] =	stream.indirect_vreg.gather [hbm4b:s6+s3], $0x80, v36, vm0, $0xb8;
	[tilespmem:$0x10400] =	vst v63  }
0x27c: {  	s14 =	simm.s32 $0x9400;
	v35 =	vadd.s32 v33, v35  }
0x27d: {  	[tilespmem:s14], [sflag:$0x2] =	stream.indirect_vreg.gather [hbm4b:s7+s3], $0x80, v36, vm0, $0xb8;
	[tilespmem:$0x10400] =	vst v63  }
0x27e: {  	s31 =	simm.s32 $0x9C00  }
0x27f: {  	[tilespmem:s31], [sflag:$0x2] =	stream.indirect_vreg.gather [hbm4b:s8+s3], $0x80, v36, vm0, $0xb8;
	[tilespmem:$0x10400] =	vst v63  }
0x280: {  	s5 =	simm.s32 $0xA400  }
0x281: {  	[tilespmem:s5], [sflag:$0x2] =	stream.indirect_vreg.gather [hbm4b:s2+s3], $0x80, v35, vm0, $0xb8;
	[tilespmem:$0x10400] =	vst v63  }
0x282: {  	s10 =	simm.s32 $0xAC00  }
0x283: {  	[tilespmem:s10], [sflag:$0x2] =	stream.indirect_vreg.gather [hbm4b:s6+s3], $0x80, v35, vm0, $0xb8;
	[tilespmem:$0x10400] =	vst v63  }
0x284: {  	s4 =	simm.s32 $0xB400  }
0x285: {  	[tilespmem:s4], [sflag:$0x2] =	stream.indirect_vreg.gather [hbm4b:s7+s3], $0x80, v35, vm0, $0xb8;
	[tilespmem:$0x10400] =	vst v63  }
0x286: {  	s25 =	simm.s32 $0xBC00  }
0x287: {  	[tilespmem:s25], [sflag:$0x2] =	stream.indirect_vreg.gather [hbm4b:s8+s3], $0x80, v35, vm0, $0xb8;
	[tilespmem:$0x10400] =	vst v63  }
0x288: {  	v35 =	vld [tilespmem:$0x370];
	_ =	sdelay $0x4  }
0x289: {  	v51 =	vshll.u32 v35, $0x3  }
0x28a: {  	v35 =	vand.u32 $0x7, v35;
	v36 =	vand.u32 $0xFFFFFFC0, v51  }
0x28b: {  	v35 =	vor.u32 v35, v36  }
0x28c: {  	v36 =	vperm.xlane v35, v32;
	_ =	sdelay $0x1  }
0x28d: {  	v36 =	vadd.s32 v33, v36;
	_ =	sdelay $0x3  }
0x28e: {  	s29 =	simm.s32 $0xC400  }
0x28f: {  	[tilespmem:s29], [sflag:$0x2] =	stream.indirect_vreg.gather [hbm4b:s2+s3], $0x80, v36, vm0, $0xb8;
	[tilespmem:$0x10400] =	vst v63  }
0x290: {  	s30 =	simm.s32 $0xCC00;
	v35 =	vperm.xlane v35, v34  }
0x291: {  	[tilespmem:s30], [sflag:$0x2] =	stream.indirect_vreg.gather [hbm4b:s6+s3], $0x80, v36, vm0, $0xb8;
	[tilespmem:$0x10400] =	vst v63  }
0x292: {  	s18 =	simm.s32 $0xD400;
	v35 =	vadd.s32 v33, v35  }
0x293: {  	[tilespmem:s18], [sflag:$0x2] =	stream.indirect_vreg.gather [hbm4b:s7+s3], $0x80, v36, vm0, $0xb8;
	[tilespmem:$0x10400] =	vst v63  }
0x294: {  	s11 =	simm.s32 $0xDC00  }
0x295: {  	[tilespmem:s11], [sflag:$0x2] =	stream.indirect_vreg.gather [hbm4b:s8+s3], $0x80, v36, vm0, $0xb8;
	[tilespmem:$0x10400] =	vst v63  }
0x296: {  	s12 =	simm.s32 $0xE400  }
0x297: {  	[tilespmem:s12], [sflag:$0x2] =	stream.indirect_vreg.gather [hbm4b:s2+s3], $0x80, v35, vm0, $0xb8;
	[tilespmem:$0x10400] =	vst v63  }
0x298: {  	s13 =	simm.s32 $0xEC00  }
0x299: {  	[tilespmem:s13], [sflag:$0x2] =	stream.indirect_vreg.gather [hbm4b:s6+s3], $0x80, v35, vm0, $0xb8;
	[tilespmem:$0x10400] =	vst v63  }
0x29a: {  	s15 =	simm.s32 $0xF400  }
0x29b: {  	[tilespmem:s15], [sflag:$0x2] =	stream.indirect_vreg.gather [hbm4b:s7+s3], $0x80, v35, vm0, $0xb8;
	[tilespmem:$0x10400] =	vst v63  }
0x29c: {  	s16 =	simm.s32 $0xFC00  }
0x29d: {  	[tilespmem:s16], [sflag:$0x2] =	stream.indirect_vreg.gather [hbm4b:s8+s3], $0x80, v35, vm0, $0xb8;
	[tilespmem:$0x10400] =	vst v63  }
0x29e: {  	_ =	swait.ge [sflag:s19], $0x8000  }
0x29f: {  	[sflag:s19] =	ssyncset.done $0x0  }
0x2a0: {  	s16 =	rddreg [dreg:$0xf];
	[sflag:s19] =	ssyncadd.s32 $0xFFFF8000  }
0x2a1: {  	[hbm4b:s16+s3] =	stream.linear.scatter [tilespmem:s9], [sflag:$0x4], $0x8000, $0x38;
	[tilespmem:$0x10400] =	vst v63  }
0x2a2: {  	_ =	swait.ge [sflag:s20], $0x8000  }
0x2a3: {  	[sflag:s20] =	ssyncset.done $0x0  }
0x2a4: {  	[sflag:s20] =	ssyncadd.s32 $0xFFFF8000  }
0x2a5: {  	v52 =	vld [tilespmem:$0x380];
	_ =	sdelay $0x4  }
0x2a6: {  	v53 =	vshll.u32 v52, $0x3  }
0x2a7: {  	v35 =	vand.u32 $0x7, v52;
	v36 =	vand.u32 $0xFFFFFFC0, v53  }
0x2a8: {  	v35 =	vor.u32 v35, v36  }
0x2a9: {  	v36 =	vperm.xlane v35, v32;
	_ =	sdelay $0x1  }
0x2aa: {  	v36 =	vadd.s32 v33, v36;
	_ =	sdelay $0x4  }
0x2ab: {  	[tilespmem:s1], [sflag:$0x1] =	stream.indirect_vreg.gather [hbm4b:s2+s3], $0x80, v36, vm0, $0xb8;
	[tilespmem:$0x10400] =	vst v63  }
0x2ac: {  	s22 =	simm.s32 $0xC00;
	v35 =	vperm.xlane v35, v34  }
0x2ad: {  	[tilespmem:s22], [sflag:$0x1] =	stream.indirect_vreg.gather [hbm4b:s6+s3], $0x80, v36, vm0, $0xb8;
	[tilespmem:$0x10400] =	vst v63  }
0x2ae: {  	s17 =	simm.s32 $0x1400;
	v35 =	vadd.s32 v33, v35  }
0x2af: {  	[tilespmem:s17], [sflag:$0x1] =	stream.indirect_vreg.gather [hbm4b:s7+s3], $0x80, v36, vm0, $0xb8;
	[tilespmem:$0x10400] =	vst v63  }
0x2b0: {  	s29 =	simm.s32 $0x1C00  }
0x2b1: {  	[tilespmem:s29], [sflag:$0x1] =	stream.indirect_vreg.gather [hbm4b:s8+s3], $0x80, v36, vm0, $0xb8;
	[tilespmem:$0x10400] =	vst v63  }
0x2b2: {  	s30 =	simm.s32 $0x2400  }
0x2b3: {  	[tilespmem:s30], [sflag:$0x1] =	stream.indirect_vreg.gather [hbm4b:s2+s3], $0x80, v35, vm0, $0xb8;
	[tilespmem:$0x10400] =	vst v63  }
0x2b4: {  	s16 =	simm.s32 $0x2C00  }
0x2b5: {  	[tilespmem:s16], [sflag:$0x1] =	stream.indirect_vreg.gather [hbm4b:s6+s3], $0x80, v35, vm0, $0xb8;
	[tilespmem:$0x10400] =	vst v63  }
0x2b6: {  	s17 =	simm.s32 $0x3400  }
0x2b7: {  	[tilespmem:s17], [sflag:$0x1] =	stream.indirect_vreg.gather [hbm4b:s7+s3], $0x80, v35, vm0, $0xb8;
	[tilespmem:$0x10400] =	vst v63  }
0x2b8: {  	s22 =	simm.s32 $0x3C00  }
0x2b9: {  	[tilespmem:s22], [sflag:$0x1] =	stream.indirect_vreg.gather [hbm4b:s8+s3], $0x80, v35, vm0, $0xb8;
	[tilespmem:$0x10400] =	vst v63  }
0x2ba: {  	v35 =	vld [tilespmem:$0x390];
	_ =	sdelay $0x4  }
0x2bb: {  	v54 =	vshll.u32 v35, $0x3  }
0x2bc: {  	v35 =	vand.u32 $0x7, v35;
	v36 =	vand.u32 $0xFFFFFFC0, v54  }
0x2bd: {  	v35 =	vor.u32 v35, v36  }
0x2be: {  	v36 =	vperm.xlane v35, v32;
	_ =	sdelay $0x1  }
0x2bf: {  	v36 =	vadd.s32 v33, v36;
	_ =	sdelay $0x3  }
0x2c0: {  	s23 =	simm.s32 $0x4400  }
0x2c1: {  	[tilespmem:s23], [sflag:$0x1] =	stream.indirect_vreg.gather [hbm4b:s2+s3], $0x80, v36, vm0, $0xb8;
	[tilespmem:$0x10400] =	vst v63  }
0x2c2: {  	s24 =	simm.s32 $0x4C00;
	v35 =	vperm.xlane v35, v34  }
0x2c3: {  	[tilespmem:s24], [sflag:$0x1] =	stream.indirect_vreg.gather [hbm4b:s6+s3], $0x80, v36, vm0, $0xb8;
	[tilespmem:$0x10400] =	vst v63  }
0x2c4: {  	s0 =	simm.s32 $0x5400;
	v35 =	vadd.s32 v33, v35  }
0x2c5: {  	[tilespmem:s0], [sflag:$0x1] =	stream.indirect_vreg.gather [hbm4b:s7+s3], $0x80, v36, vm0, $0xb8;
	[tilespmem:$0x10400] =	vst v63  }
0x2c6: {  	s29 =	simm.s32 $0x5C00  }
0x2c7: {  	[tilespmem:s29], [sflag:$0x1] =	stream.indirect_vreg.gather [hbm4b:s8+s3], $0x80, v36, vm0, $0xb8;
	[tilespmem:$0x10400] =	vst v63  }
0x2c8: {  	s30 =	simm.s32 $0x6400  }
0x2c9: {  	[tilespmem:s30], [sflag:$0x1] =	stream.indirect_vreg.gather [hbm4b:s2+s3], $0x80, v35, vm0, $0xb8;
	[tilespmem:$0x10400] =	vst v63  }
0x2ca: {  	s11 =	simm.s32 $0x6C00  }
0x2cb: {  	[tilespmem:s11], [sflag:$0x1] =	stream.indirect_vreg.gather [hbm4b:s6+s3], $0x80, v35, vm0, $0xb8;
	[tilespmem:$0x10400] =	vst v63  }
0x2cc: {  	s22 =	simm.s32 $0x7400  }
0x2cd: {  	[tilespmem:s22], [sflag:$0x1] =	stream.indirect_vreg.gather [hbm4b:s7+s3], $0x80, v35, vm0, $0xb8;
	[tilespmem:$0x10400] =	vst v63  }
0x2ce: {  	s28 =	simm.s32 $0x7C00  }
0x2cf: {  	[tilespmem:s28], [sflag:$0x1] =	stream.indirect_vreg.gather [hbm4b:s8+s3], $0x80, v35, vm0, $0xb8;
	[tilespmem:$0x10400] =	vst v63  }
0x2d0: {  	_ =	swait.ge [sflag:s26], $0x8000  }
0x2d1: {  	[sflag:s26] =	ssyncset.done $0x0  }
0x2d2: {  	s24 =	rddreg [dreg:$0x10];
	[sflag:s26] =	ssyncadd.s32 $0xFFFF8000  }
0x2d3: {  	[hbm4b:s24+s3] =	stream.linear.scatter [tilespmem:s1], [sflag:$0x3], $0x8000, $0x38;
	[tilespmem:$0x10400] =	vst v63  }
0x2d4: {  	_ =	swait.ge [sflag:s21], $0x8000  }
0x2d5: {  	[sflag:s21] =	ssyncset.done $0x0  }
0x2d6: {  	[sflag:s21] =	ssyncadd.s32 $0xFFFF8000  }
0x2d7: {  	v55 =	vld [tilespmem:$0x3A0];
	_ =	sdelay $0x4  }
0x2d8: {  	v56 =	vshll.u32 v55, $0x3  }
0x2d9: {  	v35 =	vand.u32 $0x7, v55;
	v36 =	vand.u32 $0xFFFFFFC0, v56  }
0x2da: {  	v35 =	vor.u32 v35, v36  }
0x2db: {  	v36 =	vperm.xlane v35, v32;
	_ =	sdelay $0x1  }
0x2dc: {  	v36 =	vadd.s32 v33, v36;
	_ =	sdelay $0x4  }
0x2dd: {  	[tilespmem:s9], [sflag:$0x2] =	stream.indirect_vreg.gather [hbm4b:s2+s3], $0x80, v36, vm0, $0xb8;
	[tilespmem:$0x10400] =	vst v63  }
0x2de: {  	s28 =	simm.s32 $0x8C00;
	v35 =	vperm.xlane v35, v34  }
0x2df: {  	[tilespmem:s28], [sflag:$0x2] =	stream.indirect_vreg.gather [hbm4b:s6+s3], $0x80, v36, vm0, $0xb8;
	[tilespmem:$0x10400] =	vst v63  }
0x2e0: {  	s14 =	simm.s32 $0x9400;
	v35 =	vadd.s32 v33, v35  }
0x2e1: {  	[tilespmem:s14], [sflag:$0x2] =	stream.indirect_vreg.gather [hbm4b:s7+s3], $0x80, v36, vm0, $0xb8;
	[tilespmem:$0x10400] =	vst v63  }
0x2e2: {  	s14 =	simm.s32 $0x9C00  }
0x2e3: {  	[tilespmem:s14], [sflag:$0x2] =	stream.indirect_vreg.gather [hbm4b:s8+s3], $0x80, v36, vm0, $0xb8;
	[tilespmem:$0x10400] =	vst v63  }
0x2e4: {  	s5 =	simm.s32 $0xA400  }
0x2e5: {  	[tilespmem:s5], [sflag:$0x2] =	stream.indirect_vreg.gather [hbm4b:s2+s3], $0x80, v35, vm0, $0xb8;
	[tilespmem:$0x10400] =	vst v63  }
0x2e6: {  	s10 =	simm.s32 $0xAC00  }
0x2e7: {  	[tilespmem:s10], [sflag:$0x2] =	stream.indirect_vreg.gather [hbm4b:s6+s3], $0x80, v35, vm0, $0xb8;
	[tilespmem:$0x10400] =	vst v63  }
0x2e8: {  	s4 =	simm.s32 $0xB400  }
0x2e9: {  	[tilespmem:s4], [sflag:$0x2] =	stream.indirect_vreg.gather [hbm4b:s7+s3], $0x80, v35, vm0, $0xb8;
	[tilespmem:$0x10400] =	vst v63  }
0x2ea: {  	s22 =	simm.s32 $0xBC00  }
0x2eb: {  	[tilespmem:s22], [sflag:$0x2] =	stream.indirect_vreg.gather [hbm4b:s8+s3], $0x80, v35, vm0, $0xb8;
	[tilespmem:$0x10400] =	vst v63  }
0x2ec: {  	v35 =	vld [tilespmem:$0x3B0];
	_ =	sdelay $0x4  }
0x2ed: {  	v57 =	vshll.u32 v35, $0x3  }
0x2ee: {  	v35 =	vand.u32 $0x7, v35;
	v36 =	vand.u32 $0xFFFFFFC0, v57  }
0x2ef: {  	v35 =	vor.u32 v35, v36  }
0x2f0: {  	v36 =	vperm.xlane v35, v32;
	_ =	sdelay $0x1  }
0x2f1: {  	v36 =	vadd.s32 v33, v36;
	_ =	sdelay $0x3  }
0x2f2: {  	s10 =	simm.s32 $0xC400  }
0x2f3: {  	[tilespmem:s10], [sflag:$0x2] =	stream.indirect_vreg.gather [hbm4b:s2+s3], $0x80, v36, vm0, $0xb8;
	[tilespmem:$0x10400] =	vst v63  }
0x2f4: {  	s14 =	simm.s32 $0xCC00;
	v35 =	vperm.xlane v35, v34  }
0x2f5: {  	[tilespmem:s14], [sflag:$0x2] =	stream.indirect_vreg.gather [hbm4b:s6+s3], $0x80, v36, vm0, $0xb8;
	[tilespmem:$0x10400] =	vst v63  }
0x2f6: {  	s18 =	simm.s32 $0xD400;
	v35 =	vadd.s32 v33, v35  }
0x2f7: {  	[tilespmem:s18], [sflag:$0x2] =	stream.indirect_vreg.gather [hbm4b:s7+s3], $0x80, v36, vm0, $0xb8;
	[tilespmem:$0x10400] =	vst v63  }
0x2f8: {  	s25 =	simm.s32 $0xDC00  }
0x2f9: {  	[tilespmem:s25], [sflag:$0x2] =	stream.indirect_vreg.gather [hbm4b:s8+s3], $0x80, v36, vm0, $0xb8;
	[tilespmem:$0x10400] =	vst v63  }
0x2fa: {  	s31 =	simm.s32 $0xE400  }
0x2fb: {  	[tilespmem:s31], [sflag:$0x2] =	stream.indirect_vreg.gather [hbm4b:s2+s3], $0x80, v35, vm0, $0xb8;
	[tilespmem:$0x10400] =	vst v63  }
0x2fc: {  	s12 =	simm.s32 $0xEC00  }
0x2fd: {  	[tilespmem:s12], [sflag:$0x2] =	stream.indirect_vreg.gather [hbm4b:s6+s3], $0x80, v35, vm0, $0xb8;
	[tilespmem:$0x10400] =	vst v63  }
0x2fe: {  	s13 =	simm.s32 $0xF400  }
0x2ff: {  	[tilespmem:s13], [sflag:$0x2] =	stream.indirect_vreg.gather [hbm4b:s7+s3], $0x80, v35, vm0, $0xb8;
	[tilespmem:$0x10400] =	vst v63  }
0x300: {  	s22 =	simm.s32 $0xFC00  }
0x301: {  	[tilespmem:s22], [sflag:$0x2] =	stream.indirect_vreg.gather [hbm4b:s8+s3], $0x80, v35, vm0, $0xb8;
	[tilespmem:$0x10400] =	vst v63  }
0x302: {  	_ =	swait.ge [sflag:s19], $0x8000  }
0x303: {  	[sflag:s19] =	ssyncset.done $0x0  }
0x304: {  	s25 =	rddreg [dreg:$0x11];
	[sflag:s19] =	ssyncadd.s32 $0xFFFF8000  }
0x305: {  	[hbm4b:s25+s3] =	stream.linear.scatter [tilespmem:s9], [sflag:$0x4], $0x8000, $0x38;
	[tilespmem:$0x10400] =	vst v63  }
0x306: {  	_ =	swait.ge [sflag:s20], $0x8000  }
0x307: {  	[sflag:s20] =	ssyncset.done $0x0  }
0x308: {  	[sflag:s20] =	ssyncadd.s32 $0xFFFF8000  }
0x309: {  	v58 =	vld [tilespmem:$0x3C0];
	_ =	sdelay $0x4  }
0x30a: {  	v59 =	vshll.u32 v58, $0x3  }
0x30b: {  	v35 =	vand.u32 $0x7, v58;
	v36 =	vand.u32 $0xFFFFFFC0, v59  }
0x30c: {  	v35 =	vor.u32 v35, v36  }
0x30d: {  	v36 =	vperm.xlane v35, v32;
	_ =	sdelay $0x1  }
0x30e: {  	v36 =	vadd.s32 v33, v36;
	_ =	sdelay $0x4  }
0x30f: {  	[tilespmem:s1], [sflag:$0x1] =	stream.indirect_vreg.gather [hbm4b:s2+s3], $0x80, v36, vm0, $0xb8;
	[tilespmem:$0x10400] =	vst v63  }
0x310: {  	s31 =	simm.s32 $0xC00;
	v35 =	vperm.xlane v35, v34  }
0x311: {  	[tilespmem:s31], [sflag:$0x1] =	stream.indirect_vreg.gather [hbm4b:s6+s3], $0x80, v36, vm0, $0xb8;
	[tilespmem:$0x10400] =	vst v63  }
0x312: {  	s15 =	simm.s32 $0x1400;
	v35 =	vadd.s32 v33, v35  }
0x313: {  	[tilespmem:s15], [sflag:$0x1] =	stream.indirect_vreg.gather [hbm4b:s7+s3], $0x80, v36, vm0, $0xb8;
	[tilespmem:$0x10400] =	vst v63  }
0x314: {  	s22 =	simm.s32 $0x1C00  }
0x315: {  	[tilespmem:s22], [sflag:$0x1] =	stream.indirect_vreg.gather [hbm4b:s8+s3], $0x80, v36, vm0, $0xb8;
	[tilespmem:$0x10400] =	vst v63  }
0x316: {  	s25 =	simm.s32 $0x2400  }
0x317: {  	[tilespmem:s25], [sflag:$0x1] =	stream.indirect_vreg.gather [hbm4b:s2+s3], $0x80, v35, vm0, $0xb8;
	[tilespmem:$0x10400] =	vst v63  }
0x318: {  	s31 =	simm.s32 $0x2C00  }
0x319: {  	[tilespmem:s31], [sflag:$0x1] =	stream.indirect_vreg.gather [hbm4b:s6+s3], $0x80, v35, vm0, $0xb8;
	[tilespmem:$0x10400] =	vst v63  }
0x31a: {  	s22 =	simm.s32 $0x3400  }
0x31b: {  	[tilespmem:s22], [sflag:$0x1] =	stream.indirect_vreg.gather [hbm4b:s7+s3], $0x80, v35, vm0, $0xb8;
	[tilespmem:$0x10400] =	vst v63  }
0x31c: {  	s25 =	simm.s32 $0x3C00  }
0x31d: {  	[tilespmem:s25], [sflag:$0x1] =	stream.indirect_vreg.gather [hbm4b:s8+s3], $0x80, v35, vm0, $0xb8;
	[tilespmem:$0x10400] =	vst v63  }
0x31e: {  	v35 =	vld [tilespmem:$0x3D0];
	_ =	sdelay $0x4  }
0x31f: {  	v60 =	vshll.u32 v35, $0x3  }
0x320: {  	v35 =	vand.u32 $0x7, v35;
	v36 =	vand.u32 $0xFFFFFFC0, v60  }
0x321: {  	v35 =	vor.u32 v35, v36  }
0x322: {  	v36 =	vperm.xlane v35, v32;
	_ =	sdelay $0x1  }
0x323: {  	v36 =	vadd.s32 v33, v36;
	_ =	sdelay $0x3  }
0x324: {  	s17 =	simm.s32 $0x4400  }
0x325: {  	[tilespmem:s17], [sflag:$0x1] =	stream.indirect_vreg.gather [hbm4b:s2+s3], $0x80, v36, vm0, $0xb8;
	[tilespmem:$0x10400] =	vst v63  }
0x326: {  	s23 =	simm.s32 $0x4C00;
	v35 =	vperm.xlane v35, v34  }
0x327: {  	[tilespmem:s23], [sflag:$0x1] =	stream.indirect_vreg.gather [hbm4b:s6+s3], $0x80, v36, vm0, $0xb8;
	[tilespmem:$0x10400] =	vst v63  }
0x328: {  	s16 =	simm.s32 $0x5400;
	v35 =	vadd.s32 v33, v35  }
0x329: {  	[tilespmem:s16], [sflag:$0x1] =	stream.indirect_vreg.gather [hbm4b:s7+s3], $0x80, v36, vm0, $0xb8;
	[tilespmem:$0x10400] =	vst v63  }
0x32a: {  	s29 =	simm.s32 $0x5C00  }
0x32b: {  	[tilespmem:s29], [sflag:$0x1] =	stream.indirect_vreg.gather [hbm4b:s8+s3], $0x80, v36, vm0, $0xb8;
	[tilespmem:$0x10400] =	vst v63  }
0x32c: {  	s30 =	simm.s32 $0x6400  }
0x32d: {  	[tilespmem:s30], [sflag:$0x1] =	stream.indirect_vreg.gather [hbm4b:s2+s3], $0x80, v35, vm0, $0xb8;
	[tilespmem:$0x10400] =	vst v63  }
0x32e: {  	s31 =	simm.s32 $0x6C00  }
0x32f: {  	[tilespmem:s31], [sflag:$0x1] =	stream.indirect_vreg.gather [hbm4b:s6+s3], $0x80, v35, vm0, $0xb8;
	[tilespmem:$0x10400] =	vst v63  }
0x330: {  	s16 =	simm.s32 $0x7400  }
0x331: {  	[tilespmem:s16], [sflag:$0x1] =	stream.indirect_vreg.gather [hbm4b:s7+s3], $0x80, v35, vm0, $0xb8;
	[tilespmem:$0x10400] =	vst v63  }
0x332: {  	s11 =	simm.s32 $0x7C00  }
0x333: {  	[tilespmem:s11], [sflag:$0x1] =	stream.indirect_vreg.gather [hbm4b:s8+s3], $0x80, v35, vm0, $0xb8;
	[tilespmem:$0x10400] =	vst v63  }
0x334: {  	_ =	swait.ge [sflag:s26], $0x8000  }
0x335: {  	[sflag:s26] =	ssyncset.done $0x0  }
0x336: {  	s17 =	rddreg [dreg:$0x12];
	[sflag:s26] =	ssyncadd.s32 $0xFFFF8000  }
0x337: {  	[hbm4b:s17+s3] =	stream.linear.scatter [tilespmem:s1], [sflag:$0x3], $0x8000, $0x38;
	[tilespmem:$0x10400] =	vst v63  }
0x338: {  	_ =	swait.ge [sflag:s21], $0x8000  }
0x339: {  	[sflag:s21] =	ssyncset.done $0x0  }
0x33a: {  	[sflag:s21] =	ssyncadd.s32 $0xFFFF8000  }
0x33b: {  	v61 =	vld [tilespmem:$0x3E0];
	_ =	sdelay $0x4  }
0x33c: {  	v62 =	vshll.u32 v61, $0x3  }
0x33d: {  	v35 =	vand.u32 $0x7, v61;
	v36 =	vand.u32 $0xFFFFFFC0, v62  }
0x33e: {  	v35 =	vor.u32 v35, v36  }
0x33f: {  	v36 =	vperm.xlane v35, v32;
	_ =	sdelay $0x1  }
0x340: {  	v36 =	vadd.s32 v33, v36;
	_ =	sdelay $0x4  }
0x341: {  	[tilespmem:s9], [sflag:$0x2] =	stream.indirect_vreg.gather [hbm4b:s2+s3], $0x80, v36, vm0, $0xb8;
	[tilespmem:$0x10400] =	vst v63  }
0x342: {  	s22 =	simm.s32 $0x8C00;
	v35 =	vperm.xlane v35, v34  }
0x343: {  	[tilespmem:s22], [sflag:$0x2] =	stream.indirect_vreg.gather [hbm4b:s6+s3], $0x80, v36, vm0, $0xb8;
	[tilespmem:$0x10400] =	vst v63  }
0x344: {  	s28 =	simm.s32 $0x9400;
	v35 =	vadd.s32 v33, v35  }
0x345: {  	[tilespmem:s28], [sflag:$0x2] =	stream.indirect_vreg.gather [hbm4b:s7+s3], $0x80, v36, vm0, $0xb8;
	[tilespmem:$0x10400] =	vst v63  }
0x346: {  	s23 =	simm.s32 $0x9C00  }
0x347: {  	[tilespmem:s23], [sflag:$0x2] =	stream.indirect_vreg.gather [hbm4b:s8+s3], $0x80, v36, vm0, $0xb8;
	[tilespmem:$0x10400] =	vst v63  }
0x348: {  	s24 =	simm.s32 $0xA400  }
0x349: {  	[tilespmem:s24], [sflag:$0x2] =	stream.indirect_vreg.gather [hbm4b:s2+s3], $0x80, v35, vm0, $0xb8;
	[tilespmem:$0x10400] =	vst v63  }
0x34a: {  	s5 =	simm.s32 $0xAC00  }
0x34b: {  	[tilespmem:s5], [sflag:$0x2] =	stream.indirect_vreg.gather [hbm4b:s6+s3], $0x80, v35, vm0, $0xb8;
	[tilespmem:$0x10400] =	vst v63  }
0x34c: {  	s0 =	simm.s32 $0xB400  }
0x34d: {  	[tilespmem:s0], [sflag:$0x2] =	stream.indirect_vreg.gather [hbm4b:s7+s3], $0x80, v35, vm0, $0xb8;
	[tilespmem:$0x10400] =	vst v63  }
0x34e: {  	s25 =	simm.s32 $0xBC00  }
0x34f: {  	[tilespmem:s25], [sflag:$0x2] =	stream.indirect_vreg.gather [hbm4b:s8+s3], $0x80, v35, vm0, $0xb8;
	[tilespmem:$0x10400] =	vst v63  }
0x350: {  	v35 =	vld [tilespmem:$0x3F0];
	_ =	sdelay $0x4  }
0x351: {  	v63 =	vshll.u32 v35, $0x3  }
0x352: {  	v35 =	vand.u32 $0x7, v35;
	v36 =	vand.u32 $0xFFFFFFC0, v63  }
0x353: {  	v35 =	vor.u32 v35, v36  }
0x354: {  	v36 =	vperm.xlane v35, v32;
	_ =	sdelay $0x1  }
0x355: {  	v36 =	vadd.s32 v33, v36;
	_ =	sdelay $0x3  }
0x356: {  	s28 =	simm.s32 $0xC400  }
0x357: {  	[tilespmem:s28], [sflag:$0x2] =	stream.indirect_vreg.gather [hbm4b:s2+s3], $0x80, v36, vm0, $0xb8;
	[tilespmem:$0x10400] =	vst v63  }
0x358: {  	s29 =	simm.s32 $0xCC00;
	v35 =	vperm.xlane v35, v34  }
0x359: {  	[tilespmem:s29], [sflag:$0x2] =	stream.indirect_vreg.gather [hbm4b:s6+s3], $0x80, v36, vm0, $0xb8;
	[tilespmem:$0x10400] =	vst v63  }
0x35a: {  	s10 =	simm.s32 $0xD400;
	v35 =	vadd.s32 v33, v35  }
0x35b: {  	[tilespmem:s10], [sflag:$0x2] =	stream.indirect_vreg.gather [hbm4b:s7+s3], $0x80, v36, vm0, $0xb8;
	[tilespmem:$0x10400] =	vst v63  }
0x35c: {  	s14 =	simm.s32 $0xDC00  }
0x35d: {  	[tilespmem:s14], [sflag:$0x2] =	stream.indirect_vreg.gather [hbm4b:s8+s3], $0x80, v36, vm0, $0xb8;
	[tilespmem:$0x10400] =	vst v63  }
0x35e: {  	s18 =	simm.s32 $0xE400  }
0x35f: {  	[tilespmem:s18], [sflag:$0x2] =	stream.indirect_vreg.gather [hbm4b:s2+s3], $0x80, v35, vm0, $0xb8;
	[tilespmem:$0x10400] =	vst v63  }
0x360: {  	s4 =	simm.s32 $0xEC00  }
0x361: {  	[tilespmem:s4], [sflag:$0x2] =	stream.indirect_vreg.gather [hbm4b:s6+s3], $0x80, v35, vm0, $0xb8;
	[tilespmem:$0x10400] =	vst v63  }
0x362: {  	s12 =	simm.s32 $0xF400  }
0x363: {  	[tilespmem:s12], [sflag:$0x2] =	stream.indirect_vreg.gather [hbm4b:s7+s3], $0x80, v35, vm0, $0xb8;
	[tilespmem:$0x10400] =	vst v63  }
0x364: {  	s13 =	simm.s32 $0xFC00  }
0x365: {  	[tilespmem:s13], [sflag:$0x2] =	stream.indirect_vreg.gather [hbm4b:s8+s3], $0x80, v35, vm0, $0xb8;
	[tilespmem:$0x10400] =	vst v63  }
0x366: {  	s30 =	rddreg [dreg:$0x15];
	_ =	swait.ge [sflag:s19], $0x8000  }
0x367: {  	[sflag:s19] =	ssyncset.done $0x0  }
0x368: {  	s31 =	rddreg [dreg:$0x13];
	[sflag:s19] =	ssyncadd.s32 $0xFFFF8000  }
0x369: {  	[hbm4b:s31+s3] =	stream.linear.scatter [tilespmem:s9], [sflag:$0x4], $0x8000, $0x38;
	[tilespmem:$0x10400] =	vst v63  }
0x36a: {  	p0 =	sne.s32 s30, $0x1;
	_ =	swait.ge [sflag:s20], $0x8000  }
.Ltmp0:
0x36b: {  	[sflag:s20] =	ssyncset.done $0x0;
	(pc) =	sbr.rel @p0 .LBB2_1-.Ltmp0, $4  }
0x36c: {  	[sflag:s20] =	ssyncadd.s32 $0xFFFF8000  }
0x36d: {  	_ =	swait.ge [sflag:s21], $0x8000  }
0x36e: {  	[sflag:s21] =	ssyncset.done $0x0  }
0x36f: {  	s5 =	sadd.s32 $0xFFFFFFFF, s30;
	[sflag:s21] =	ssyncadd.s32 $0xFFFF8000  }
0x370: {  	_ =	sfence.sel $0x180000  }
0x371: {  	[bflag:$0x0] =	sbarrier.arrive $0xFFFF  }
0x372: {  	_ =	strace $0x90000047  }
0x373: {  	s0 =	stileid.u32;
	[bflag:$0x2] =	sbarrier.arrive $0xFFFF  }
0x374: {  	p0 =	sne.s32 s0, $0x0;
	s0 =	rddreg [dreg:$0x3]  }
0x375: {  	s0 =	sadd.s32 @!p0 $0x100000, s0  }
0x376: {  	[sflag:s0] =	ssyncadd.tile.s32 @!p0 $0x1;
	_ =	shalt  }
.Lfunc_end2:
_tile_overlayer_lowered:
.L_overlay_start_2:
0x377: {  	(tag) =	ssettag $0x2  }
0x378: {  	s0 =	rddreg [dreg:$0x0];
	s2 =	stileid.u32  }
0x379: {  	s1 =	rddreg [dreg:$0x1];
	p0 =	sne.s32 s2, $0x0  }
0x37a: {  	s3 =	rddreg [dreg:$0x2];
	[bflag:$0x3] =	sbarrier.arrive $0xFFFF;
	s2 =	simm.s32 @!p0 $0x1C05  }
0x37b: {  	[timem:s3], [sflag:s2] =	dma.local @!p0 [hbm:s0], s1  }
0x37c: {  	s0 =	simm.s32 @!p0 $0x5  }
0x37d: {  	_ =	swait.ge @!p0 [sflag:s0], s1  }
0x37e: {  	s1 =	ssub.s32 @!p0 $0x0, s1;
	[sflag:s0] =	ssyncset.done @!p0 $0x0  }
0x37f: {  	[sflag:s0] =	ssyncadd.s32 @!p0 s1  }
0x380: {  	[bflag:$0x3] =	sbarrier.arrive $0xFFFF  }
0x381: {  	_ =	shalt  }

</sc_bundles>
